<compile_context>
chip_gen: v7x
topology: tpu7x:2x2x1
jax: 0.10.2.dev20260603
libtpu: 0.0.44.dev20260713+nightly
codegen_flags: <defaults>
</compile_context>

<pallas_src>
import functools

import jax
import jax.numpy as jnp
from jax import lax
from jax.experimental import pallas as pl
from jax.experimental.pallas import tpu as pltpu
from jax.experimental.pallas import tpu_sc as plsc

N = 10000
E = 320000
D = 128
A = 8

NC = 2
NS = 16
NW = NC * NS
NP = 10112
RPT = NP // NS
ND = 10240
RPT_D = ND // NS

C = 128
NCHUNK = 80
EPW = C * NCHUNK
EP = NW * EPW
CD = 2048
NCHUNK_D = EPW // CD

BN = 632
GRID = NP // BN

_mesh = plsc.VectorSubcoreMesh(
    core_axis_name="c", subcore_axis_name="s", num_cores=NC, num_subcores=NS)



@functools.partial(
    pl.kernel,
    out_type=jax.ShapeDtypeStruct((NC * ND,), jnp.float32),
    mesh=_mesh,
    scratch_types=[
        pltpu.VMEM((CD,), jnp.int32),
        pltpu.VMEM((CD,), jnp.float32),
        pltpu.VMEM_SHARED((ND,), jnp.float32),
    ],
)
def _sc_degree(dst_hbm, ones_hbm, zeros_hbm, out_hbm, idx_v, ones_v, deg_sh):
    c = lax.axis_index("c")
    s = lax.axis_index("s")
    wid = s * NC + c
    base = wid * EPW
    pltpu.sync_copy(ones_hbm.at[pl.ds(0, CD)], ones_v)
    pltpu.sync_copy(zeros_hbm.at[pl.ds(s * RPT_D, RPT_D)],
                    deg_sh.at[pl.ds(s * RPT_D, RPT_D)])
    plsc.subcore_barrier()

    def chunk(i, carry):
        pltpu.sync_copy(dst_hbm.at[pl.ds(base + i * CD, CD)], idx_v)
        pltpu.sync_copy(ones_v, deg_sh.at[idx_v], add=True)
        return carry

    lax.fori_loop(0, NCHUNK_D, chunk, 0)
    plsc.subcore_barrier()
    pltpu.sync_copy(deg_sh.at[pl.ds(s * RPT_D, RPT_D)],
                    out_hbm.at[pl.ds(c * ND + s * RPT_D, RPT_D)])


@functools.partial(
    pl.kernel,
    out_type=jax.ShapeDtypeStruct((NC, NP, D), jnp.float32),
    mesh=_mesh,
    scratch_types=[
        pltpu.VMEM((NCHUNK, C), jnp.int32),
        pltpu.VMEM((2, C), jnp.int32),
        pltpu.VMEM((2, C, D), jnp.float32),
        pltpu.SemaphoreType.DMA,
        pltpu.SemaphoreType.DMA,
        pltpu.SemaphoreType.DMA,
        pltpu.SemaphoreType.DMA,
        pltpu.VMEM_SHARED((NP, D), jnp.float32),
    ],
)
def _sc_scatter(y_hbm, src_hbm, dst_hbm, zeros_hbm, out_hbm,
                src_v, dst_v, rows_v, sem0, sem1, dsem0, dsem1, acc_sh):
    c = lax.axis_index("c")
    s = lax.axis_index("s")
    wid = s * NC + c
    row0 = wid * NCHUNK
    base = wid * EPW
    sems = (sem0, sem1)
    dsems = (dsem0, dsem1)

    def start_dst_load(g, b):
        pltpu.async_copy(dst_hbm.at[pl.ds(base + g * C, C)], dst_v.at[b],
                         dsems[b])

    def wait_dst(g, b):
        pltpu.make_async_copy(dst_hbm.at[pl.ds(base + g * C, C)],
                              dst_v.at[b], dsems[b]).wait()

    pltpu.async_copy(src_hbm.at[pl.ds(row0, NCHUNK)], src_v, sem0)
    start_dst_load(0, 0)
    start_dst_load(1, 1)
    pltpu.sync_copy(zeros_hbm.at[pl.ds(s * RPT, RPT)],
                    acc_sh.at[pl.ds(s * RPT, RPT)])
    pltpu.make_async_copy(src_hbm.at[pl.ds(row0, NCHUNK)], src_v, sem0).wait()
    plsc.subcore_barrier()

    def start_gather(g, b):
        pltpu.async_copy(y_hbm.at[src_v.at[g]], rows_v.at[b], sems[b])

    def wait_gather(g, b):
        pltpu.make_async_copy(y_hbm.at[src_v.at[g]], rows_v.at[b],
                              sems[b]).wait()

    def scatter(b):
        pltpu.sync_copy(rows_v.at[b], acc_sh.at[dst_v.at[b]], add=True)

    start_gather(0, 0)

    def outer(j, carry):
        for b in (0, 1):
            g = j * 2 + b
            nb = 1 - b
            wait_gather(g, b)
            start_gather(g + 1, nb)
            wait_dst(g, b)
            scatter(b)
            start_dst_load(g + 2, b)
        return carry

    lax.fori_loop(0, (NCHUNK - 2) // 2, outer, 0)

    wait_gather(NCHUNK - 2, 0)
    start_gather(NCHUNK - 1, 1)
    wait_dst(NCHUNK - 2, 0)
    scatter(0)
    wait_gather(NCHUNK - 1, 1)
    wait_dst(NCHUNK - 1, 1)
    scatter(1)

    plsc.subcore_barrier()
    pltpu.sync_copy(acc_sh.at[pl.ds(s * RPT, RPT)],
                    out_hbm.at[c, pl.ds(s * RPT, RPT)])



def _full(shape):
    return pl.BlockSpec(shape, lambda n: tuple(0 for _ in shape))


def _stage_a_body(deg_ref, x_ref, win_ref, bin_ref, w1_ref, y1_ref, dinv_ref):
    h = jnp.dot(x_ref[...], win_ref[...], preferred_element_type=jnp.float32)
    h = jnp.maximum(h + bin_ref[...], 0.0)
    xw = jnp.dot(h, w1_ref[...], preferred_element_type=jnp.float32)
    deg = deg_ref[...]
    dinv = lax.rsqrt(1.0 + deg[:, 0] + deg[:, 1])
    y1_ref[...] = xw * dinv[:, None]
    dinv_ref[...] = dinv[:, None]


_stage_a = pl.pallas_call(
    _stage_a_body,
    grid=(GRID,),
    in_specs=[
        pl.BlockSpec((BN, 2), lambda n: (n, 0)),
        pl.BlockSpec((BN, D), lambda n: (n, 0)),
        _full((D, D)),
        _full((1, D)),
        _full((D, D)),
    ],
    out_specs=[
        pl.BlockSpec((BN, D), lambda n: (n, 0)),
        pl.BlockSpec((BN, 1), lambda n: (n, 0)),
    ],
    out_shape=[
        jax.ShapeDtypeStruct((NP, D), jnp.float32),
        jax.ShapeDtypeStruct((NP, 1), jnp.float32),
    ],
    compiler_params=pltpu.CompilerParams(dimension_semantics=("parallel",)),
)


def _stage_mid_body(s_ref, y_ref, dinv_ref, b_ref, w_ref, out_ref):
    dinv = dinv_ref[...]
    agg = s_ref[0] + s_ref[1] + y_ref[...]
    h = jnp.maximum(dinv * agg + b_ref[...], 0.0)
    out_ref[...] = dinv * jnp.dot(h, w_ref[...],
                                  preferred_element_type=jnp.float32)


_stage_mid = pl.pallas_call(
    _stage_mid_body,
    grid=(GRID,),
    in_specs=[
        pl.BlockSpec((NC, BN, D), lambda n: (0, n, 0)),
        pl.BlockSpec((BN, D), lambda n: (n, 0)),
        pl.BlockSpec((BN, 1), lambda n: (n, 0)),
        _full((1, D)),
        _full((D, D)),
    ],
    out_specs=pl.BlockSpec((BN, D), lambda n: (n, 0)),
    out_shape=jax.ShapeDtypeStruct((NP, D), jnp.float32),
    compiler_params=pltpu.CompilerParams(dimension_semantics=("parallel",)),
)


def _stage_out_body(s_ref, y_ref, dinv_ref, b_ref, wfc_ref, bfc_ref, out_ref):
    dinv = dinv_ref[...]
    agg = s_ref[0] + s_ref[1] + y_ref[...]
    h = jnp.maximum(dinv * agg + b_ref[...], 0.0)
    out_ref[...] = jnp.dot(h, wfc_ref[...],
                           preferred_element_type=jnp.float32) + bfc_ref[...]


_stage_out = pl.pallas_call(
    _stage_out_body,
    grid=(GRID,),
    in_specs=[
        pl.BlockSpec((NC, BN, D), lambda n: (0, n, 0)),
        pl.BlockSpec((BN, D), lambda n: (n, 0)),
        pl.BlockSpec((BN, 1), lambda n: (n, 0)),
        _full((1, D)),
        _full((D, A)),
        _full((1, A)),
    ],
    out_specs=pl.BlockSpec((BN, A), lambda n: (n, 0)),
    out_shape=jax.ShapeDtypeStruct((NP, A), jnp.float32),
    compiler_params=pltpu.CompilerParams(dimension_semantics=("parallel",)),
)



def kernel(x, edge_index, W_in, b_in, W1, b1, W2, b2, W_fc, b_fc):
    pad_idx = (jnp.arange(EP - E, dtype=jnp.int32) % (NP - N)) + N
    src = jnp.concatenate([edge_index[0], pad_idx]).reshape(NW * NCHUNK, C)
    dst = jnp.concatenate([edge_index[1], pad_idx])
    xp = jnp.pad(x, ((0, NP - N), (0, 0)))
    zeros1 = jnp.zeros((ND,), jnp.float32)
    zeros2 = jnp.zeros((NP, D), jnp.float32)
    ones1 = jnp.ones((CD,), jnp.float32)

    degp = _sc_degree(dst, ones1, zeros1)
    y1, dinv = _stage_a(degp.reshape(NC, ND)[:, :NP].T, xp, W_in,
                        b_in.reshape(1, D), W1)
    s1 = _sc_scatter(y1, src, dst, zeros2)
    y2 = _stage_mid(s1, y1, dinv, b1.reshape(1, D), W2)
    s2 = _sc_scatter(y2, src, dst, zeros2)
    out = _stage_out(s2, y2, dinv, b2.reshape(1, D), W_fc, b_fc.reshape(1, A))
    return out[:N]

# --- scband reference (transcript-rebuilt; emitter-appended) ---
"""Pipeline reference for scband-gnn-qnetwork-48739288875467 (READ-ONLY COPY).

The authoritative reference and input builder live on the scoring server;
editing this copy changes nothing except your own understanding.
"""

import jax, jax.numpy as jnp
import numpy as np

N = 10000
E = 320000
D_IN = 128
H = 128
A = 8


def setup_inputs(seed: int = 0) -> dict:
    key = jax.random.key(seed)
    ks = jax.random.split(key, 12)
    x = jax.random.normal(ks[0], (N, D_IN), dtype=jnp.float32)
    edge_index = jax.random.randint(ks[1], (2, E), 0, N, dtype=jnp.int32)
    s_in = 1.0 / np.sqrt(D_IN)
    s_h = 1.0 / np.sqrt(H)
    W_in = jax.random.uniform(ks[2], (D_IN, H), jnp.float32, -s_in, s_in)
    b_in = jax.random.uniform(ks[3], (H,), jnp.float32, -s_in, s_in)
    W1 = jax.random.uniform(ks[4], (H, H), jnp.float32, -s_h, s_h)
    b1 = jax.random.uniform(ks[5], (H,), jnp.float32, -s_h, s_h)
    W2 = jax.random.uniform(ks[6], (H, H), jnp.float32, -s_h, s_h)
    b2 = jax.random.uniform(ks[7], (H,), jnp.float32, -s_h, s_h)
    W_fc = jax.random.uniform(ks[8], (H, A), jnp.float32, -s_h, s_h)
    b_fc = jax.random.uniform(ks[9], (A,), jnp.float32, -s_h, s_h)
    return {"x": x, "edge_index": edge_index, "W_in": W_in, "b_in": b_in,
            "W1": W1, "b1": b1, "W2": W2, "b2": b2, "W_fc": W_fc, "b_fc": b_fc}


def _gcn_conv(x, edge_index, W, b):
    # PyG GCNConv semantics: x @ W, add self loops, symmetric normalization, scatter-add, + bias
    src = edge_index[0]
    dst = edge_index[1]
    loop = jnp.arange(N, dtype=src.dtype)
    src2 = jnp.concatenate([src, loop])
    dst2 = jnp.concatenate([dst, loop])
    deg = jnp.zeros((N,), jnp.float32).at[dst2].add(1.0)
    dinv = jnp.where(deg > 0, 1.0 / jnp.sqrt(deg), 0.0)
    norm = dinv[src2] * dinv[dst2]
    xw = x @ W
    msg = xw[src2] * norm[:, None]
    out = jnp.zeros((N, xw.shape[1]), jnp.float32).at[dst2].add(msg)
    return out + b


def reference(x, edge_index, W_in, b_in, W1, b1, W2, b2, W_fc, b_fc):
    h = jax.nn.relu(x @ W_in + b_in)
    h = jax.nn.relu(_gcn_conv(h, edge_index, W1, b1))
    h = jax.nn.relu(_gcn_conv(h, edge_index, W2, b2))
    return h @ W_fc + b_fc

if __name__ == "__main__":
    import jax
    _d = setup_inputs()
    print(jax.jit(kernel)(*tuple(_d.values())))

</pallas_src>

<mosaic_0001>
#map = affine_map<(d0, d1) -> (0)>
module attributes {stable_mosaic.version = 14 : i64} {
  func.func @_sc_degree(%arg0: i32, %arg1: i32, %arg2: memref<327680xi32, #tpu.memory_space<hbm>>, %arg3: memref<2048xf32, #tpu.memory_space<hbm>>, %arg4: memref<10240xf32, #tpu.memory_space<hbm>>, %arg5: memref<20480xf32, #tpu.memory_space<hbm>>, %arg6: memref<2048xi32, #tpu.memory_space<vmem>>, %arg7: memref<2048xf32, #tpu.memory_space<vmem>>, %arg8: memref<10240xf32, #tpu.memory_space<vmem_shared>>) attributes {dimension_semantics = [#tpu.dimension_semantics<core_parallel>, #tpu.dimension_semantics<subcore_parallel>], iteration_bounds = array<i64: 2, 16>, scalar_prefetch = 0 : i64, scratch_operands = 3 : i64, tpu.core_type = #tpu.core_type<sc_vector_subcore>, window_params = [{transform_indices = #map}, {transform_indices = #map}, {transform_indices = #map}, {transform_indices = #map}]} {
    %mul3A = arith.constant 2 : i32
    %mul3A_0 = arith.muli %arg1, %mul3A : i32
    %add3A = arith.addi %mul3A_0, %arg0 : i32
    %mul3A_1 = arith.constant 10240 : i32
    %mul3A_2 = arith.muli %add3A, %mul3A_1 : i32
    "tpu.region"() ({
      %run_scoped3A = tpu.sem_alloc : memref<!tpu.dma_semaphore, #tpu.memory_space<semaphore_mem>>
      %dma_start3A = arith.constant 0 : i32
      %dma_start3A_20 = tpu.memref_slice %arg3[%dma_start3A] : memref<2048xf32, #tpu.memory_space<hbm>> -> memref<2048xf32, #tpu.memory_space<hbm>>
      %dma_start3A_21 = arith.constant 0 : i32
      %dma_start3A_22 = tpu.memref_slice %arg3[%dma_start3A_21] : memref<2048xf32, #tpu.memory_space<hbm>> -> memref<2048xf32, #tpu.memory_space<hbm>>
      tpu.enqueue_dma source(%dma_start3A_22 : memref<2048xf32, #tpu.memory_space<hbm>>) target(%arg7 : memref<2048xf32, #tpu.memory_space<vmem>>) target_semaphore(%run_scoped3A : memref<!tpu.dma_semaphore, #tpu.memory_space<semaphore_mem>>)
      %dma_wait3A = arith.constant 0 : i32
      %dma_wait3A_23 = tpu.memref_slice %arg3[%dma_wait3A] : memref<2048xf32, #tpu.memory_space<hbm>> -> memref<2048xf32, #tpu.memory_space<hbm>>
      %dma_wait3A_24 = arith.constant 0 : i32
      %dma_wait3A_25 = tpu.memref_slice %arg3[%dma_wait3A_24] : memref<2048xf32, #tpu.memory_space<hbm>> -> memref<2048xf32, #tpu.memory_space<hbm>>
      tpu.wait_dma2 semaphore(%run_scoped3A : memref<!tpu.dma_semaphore, #tpu.memory_space<semaphore_mem>>) src(%dma_wait3A_25 : memref<2048xf32, #tpu.memory_space<hbm>>) dst(%arg7 : memref<2048xf32, #tpu.memory_space<vmem>>)
      tpu.yield
    }) : () -> ()
    %mul3A_3 = arith.constant 640 : i32
    %mul3A_4 = arith.muli %arg1, %mul3A_3 : i32
    %mul3A_5 = arith.constant 640 : i32
    %mul3A_6 = arith.muli %arg1, %mul3A_5 : i32
    "tpu.region"() ({
      %run_scoped3A = tpu.sem_alloc : memref<!tpu.dma_semaphore, #tpu.memory_space<semaphore_mem>>
      %dma_start3A = tpu.memref_slice %arg8[%mul3A_6] : memref<10240xf32, #tpu.memory_space<vmem_shared>> -> memref<640xf32, #tpu.memory_space<vmem_shared>>
      %dma_start3A_20 = tpu.memref_slice %arg4[%mul3A_4] : memref<10240xf32, #tpu.memory_space<hbm>> -> memref<640xf32, #tpu.memory_space<hbm>>
      tpu.enqueue_dma source(%dma_start3A_20 : memref<640xf32, #tpu.memory_space<hbm>>) target(%dma_start3A : memref<640xf32, #tpu.memory_space<vmem_shared>>) target_semaphore(%run_scoped3A : memref<!tpu.dma_semaphore, #tpu.memory_space<semaphore_mem>>)
      %dma_wait3A = tpu.memref_slice %arg8[%mul3A_6] : memref<10240xf32, #tpu.memory_space<vmem_shared>> -> memref<640xf32, #tpu.memory_space<vmem_shared>>
      %dma_wait3A_21 = tpu.memref_slice %arg4[%mul3A_4] : memref<10240xf32, #tpu.memory_space<hbm>> -> memref<640xf32, #tpu.memory_space<hbm>>
      tpu.wait_dma2 semaphore(%run_scoped3A : memref<!tpu.dma_semaphore, #tpu.memory_space<semaphore_mem>>) src(%dma_wait3A_21 : memref<640xf32, #tpu.memory_space<hbm>>) dst(%dma_wait3A : memref<640xf32, #tpu.memory_space<vmem_shared>>)
      tpu.yield
    }) : () -> ()
    %barrier3A = arith.constant 0 : index
    tpu.barrier barrier_id(%barrier3A)
    %scan3A = arith.constant 0 : i32
    %scan3A_7 = arith.constant 0 : i32
    %scan3A_8 = arith.constant 5 : i32
    %scan3A_9 = arith.addi %scan3A_7, %scan3A_8 : i32
    %scan3A_10 = arith.constant 1 : i32
    scf.for %scan3A_20 = %scan3A_7 to %scan3A_9 step %scan3A_10  : i32 {
      %mul3A_21 = arith.constant 2048 : i32
      %mul3A_22 = arith.muli %scan3A_20, %mul3A_21 : i32
      %add3A_23 = arith.addi %mul3A_2, %mul3A_22 : i32
      "tpu.region"() ({
        %run_scoped3A = tpu.sem_alloc : memref<!tpu.dma_semaphore, #tpu.memory_space<semaphore_mem>>
        %dma_start3A = tpu.memref_slice %arg2[%add3A_23] : memref<327680xi32, #tpu.memory_space<hbm>> -> memref<2048xi32, #tpu.memory_space<hbm>>
        %dma_start3A_24 = tpu.memref_slice %arg2[%add3A_23] : memref<327680xi32, #tpu.memory_space<hbm>> -> memref<2048xi32, #tpu.memory_space<hbm>>
        tpu.enqueue_dma source(%dma_start3A_24 : memref<2048xi32, #tpu.memory_space<hbm>>) target(%arg6 : memref<2048xi32, #tpu.memory_space<vmem>>) target_semaphore(%run_scoped3A : memref<!tpu.dma_semaphore, #tpu.memory_space<semaphore_mem>>)
        %dma_wait3A = tpu.memref_slice %arg2[%add3A_23] : memref<327680xi32, #tpu.memory_space<hbm>> -> memref<2048xi32, #tpu.memory_space<hbm>>
        %dma_wait3A_25 = tpu.memref_slice %arg2[%add3A_23] : memref<327680xi32, #tpu.memory_space<hbm>> -> memref<2048xi32, #tpu.memory_space<hbm>>
        tpu.wait_dma2 semaphore(%run_scoped3A : memref<!tpu.dma_semaphore, #tpu.memory_space<semaphore_mem>>) src(%dma_wait3A_25 : memref<2048xi32, #tpu.memory_space<hbm>>) dst(%arg6 : memref<2048xi32, #tpu.memory_space<vmem>>)
        tpu.yield
      }) : () -> ()
      "tpu.region"() ({
        %run_scoped3A = tpu.sem_alloc : memref<!tpu.dma_semaphore, #tpu.memory_space<semaphore_mem>>
        %dma_start3A = arith.constant 0 : i32
        %dma_start3A_24 = tpu.memref_slice %arg8[%dma_start3A] : memref<10240xf32, #tpu.memory_space<vmem_shared>> -> memref<10240xf32, #tpu.memory_space<vmem_shared>>
        tpu.enqueue_indirect_dma source(%arg7 : memref<2048xf32, #tpu.memory_space<vmem>>) target(%dma_start3A_24 : memref<10240xf32, #tpu.memory_space<vmem_shared>>) offsets(%arg6 : memref<2048xi32, #tpu.memory_space<vmem>>) semaphore(%run_scoped3A : memref<!tpu.dma_semaphore, #tpu.memory_space<semaphore_mem>>) {add = true}
        %dma_wait3A = arith.constant 0 : i32
        %dma_wait3A_25 = tpu.memref_slice %arg8[%dma_wait3A] : memref<10240xf32, #tpu.memory_space<vmem_shared>> -> memref<10240xf32, #tpu.memory_space<vmem_shared>>
        tpu.wait_indirect_dma semaphore(%run_scoped3A : memref<!tpu.dma_semaphore, #tpu.memory_space<semaphore_mem>>) src(%arg7 : memref<2048xf32, #tpu.memory_space<vmem>>) dst(%dma_wait3A_25 : memref<10240xf32, #tpu.memory_space<vmem_shared>>)
        tpu.yield
      }) : () -> ()
    }
    %scan3A_11 = arith.constant 5 : i32
    %barrier3A_12 = arith.constant 0 : index
    tpu.barrier barrier_id(%barrier3A_12)
    %mul3A_13 = arith.constant 640 : i32
    %mul3A_14 = arith.muli %arg1, %mul3A_13 : i32
    %mul3A_15 = arith.constant 10240 : i32
    %mul3A_16 = arith.muli %arg0, %mul3A_15 : i32
    %mul3A_17 = arith.constant 640 : i32
    %mul3A_18 = arith.muli %arg1, %mul3A_17 : i32
    %add3A_19 = arith.addi %mul3A_16, %mul3A_18 : i32
    "tpu.region"() ({
      %run_scoped3A = tpu.sem_alloc : memref<!tpu.dma_semaphore, #tpu.memory_space<semaphore_mem>>
      %dma_start3A = tpu.memref_slice %arg5[%add3A_19] : memref<20480xf32, #tpu.memory_space<hbm>> -> memref<640xf32, #tpu.memory_space<hbm>>
      %dma_start3A_20 = tpu.memref_slice %arg8[%mul3A_14] : memref<10240xf32, #tpu.memory_space<vmem_shared>> -> memref<640xf32, #tpu.memory_space<vmem_shared>>
      tpu.enqueue_dma source(%dma_start3A_20 : memref<640xf32, #tpu.memory_space<vmem_shared>>) target(%dma_start3A : memref<640xf32, #tpu.memory_space<hbm>>) target_semaphore(%run_scoped3A : memref<!tpu.dma_semaphore, #tpu.memory_space<semaphore_mem>>)
      %dma_wait3A = tpu.memref_slice %arg5[%add3A_19] : memref<20480xf32, #tpu.memory_space<hbm>> -> memref<640xf32, #tpu.memory_space<hbm>>
      %dma_wait3A_21 = tpu.memref_slice %arg8[%mul3A_14] : memref<10240xf32, #tpu.memory_space<vmem_shared>> -> memref<640xf32, #tpu.memory_space<vmem_shared>>
      tpu.wait_dma2 semaphore(%run_scoped3A : memref<!tpu.dma_semaphore, #tpu.memory_space<semaphore_mem>>) src(%dma_wait3A_21 : memref<640xf32, #tpu.memory_space<vmem_shared>>) dst(%dma_wait3A : memref<640xf32, #tpu.memory_space<hbm>>)
      tpu.yield
    }) : () -> ()
    return
  }
}

#map = affine_map<(d0, d1) -> (0, 0)>
#map1 = affine_map<(d0, d1) -> (0)>
#map2 = affine_map<(d0, d1) -> (0, 0, 0)>
module attributes {stable_mosaic.version = 14 : i64} {
  func.func @_sc_scatter(%arg0: i32, %arg1: i32, %arg2: memref<10112x128xf32, #tpu.memory_space<hbm>>, %arg3: memref<2560x128xi32, #tpu.memory_space<hbm>>, %arg4: memref<327680xi32, #tpu.memory_space<hbm>>, %arg5: memref<10112x128xf32, #tpu.memory_space<hbm>>, %arg6: memref<2x10112x128xf32, #tpu.memory_space<hbm>>, %arg7: memref<80x128xi32, #tpu.memory_space<vmem>>, %arg8: memref<2x128xi32, #tpu.memory_space<vmem>>, %arg9: memref<2x128x128xf32, #tpu.memory_space<vmem>>, %arg10: memref<!tpu.dma_semaphore, #tpu.memory_space<semaphore_mem>>, %arg11: memref<!tpu.dma_semaphore, #tpu.memory_space<semaphore_mem>>, %arg12: memref<!tpu.dma_semaphore, #tpu.memory_space<semaphore_mem>>, %arg13: memref<!tpu.dma_semaphore, #tpu.memory_space<semaphore_mem>>, %arg14: memref<10112x128xf32, #tpu.memory_space<vmem_shared>>) attributes {dimension_semantics = [#tpu.dimension_semantics<core_parallel>, #tpu.dimension_semantics<subcore_parallel>], iteration_bounds = array<i64: 2, 16>, scalar_prefetch = 0 : i64, scratch_operands = 8 : i64, tpu.core_type = #tpu.core_type<sc_vector_subcore>, window_params = [{transform_indices = #map}, {transform_indices = #map}, {transform_indices = #map1}, {transform_indices = #map}, {transform_indices = #map2}]} {
    %mul3A = arith.constant 2 : i32
    %mul3A_0 = arith.muli %arg1, %mul3A : i32
    %add3A = arith.addi %mul3A_0, %arg0 : i32
    %mul3A_1 = arith.constant 80 : i32
    %mul3A_2 = arith.muli %add3A, %mul3A_1 : i32
    %mul3A_3 = arith.constant 10240 : i32
    %mul3A_4 = arith.muli %add3A, %mul3A_3 : i32
    %dma_start3A = arith.constant 0 : i32
    %dma_start3A_5 = tpu.memref_slice %arg3[%mul3A_2, %dma_start3A] : memref<2560x128xi32, #tpu.memory_space<hbm>> -> memref<80x128xi32, #tpu.memory_space<hbm>>
    %dma_start3A_6 = arith.constant 0 : i32
    %dma_start3A_7 = tpu.memref_slice %arg3[%mul3A_2, %dma_start3A_6] : memref<2560x128xi32, #tpu.memory_space<hbm>> -> memref<80x128xi32, #tpu.memory_space<hbm>>
    tpu.enqueue_dma source(%dma_start3A_7 : memref<80x128xi32, #tpu.memory_space<hbm>>) target(%arg7 : memref<80x128xi32, #tpu.memory_space<vmem>>) target_semaphore(%arg10 : memref<!tpu.dma_semaphore, #tpu.memory_space<semaphore_mem>>)
    %add3A_8 = arith.constant 0 : i32
    %add3A_9 = arith.addi %mul3A_4, %add3A_8 : i32
    %dma_start3A_10 = arith.constant 0 : i32
    %dma_start3A_11 = arith.constant 0 : i32
    %dma_start3A_12 = tpu.memref_slice %arg8[%dma_start3A_10, %dma_start3A_11] : memref<2x128xi32, #tpu.memory_space<vmem>> -> memref<1x128xi32, #tpu.memory_space<vmem>>
    %dma_start3A_13 = tpu.memref_squeeze %dma_start3A_12 : memref<1x128xi32, #tpu.memory_space<vmem>> -> memref<128xi32, #tpu.memory_space<vmem>>
    %dma_start3A_14 = tpu.memref_slice %arg4[%add3A_9] : memref<327680xi32, #tpu.memory_space<hbm>> -> memref<128xi32, #tpu.memory_space<hbm>>
    %dma_start3A_15 = arith.constant 0 : i32
    %dma_start3A_16 = tpu.memref_slice %arg8[%dma_start3A_10, %dma_start3A_15] : memref<2x128xi32, #tpu.memory_space<vmem>> -> memref<1x128xi32, #tpu.memory_space<vmem>>
    %dma_start3A_17 = tpu.memref_squeeze %dma_start3A_16 : memref<1x128xi32, #tpu.memory_space<vmem>> -> memref<128xi32, #tpu.memory_space<vmem>>
    %dma_start3A_18 = tpu.memref_slice %arg4[%add3A_9] : memref<327680xi32, #tpu.memory_space<hbm>> -> memref<128xi32, #tpu.memory_space<hbm>>
    tpu.enqueue_dma source(%dma_start3A_18 : memref<128xi32, #tpu.memory_space<hbm>>) target(%dma_start3A_17 : memref<128xi32, #tpu.memory_space<vmem>>) target_semaphore(%arg12 : memref<!tpu.dma_semaphore, #tpu.memory_space<semaphore_mem>>)
    %add3A_19 = arith.constant 128 : i32
    %add3A_20 = arith.addi %mul3A_4, %add3A_19 : i32
    %dma_start3A_21 = arith.constant 1 : i32
    %dma_start3A_22 = arith.constant 0 : i32
    %dma_start3A_23 = tpu.memref_slice %arg8[%dma_start3A_21, %dma_start3A_22] : memref<2x128xi32, #tpu.memory_space<vmem>> -> memref<1x128xi32, #tpu.memory_space<vmem>>
    %dma_start3A_24 = tpu.memref_squeeze %dma_start3A_23 : memref<1x128xi32, #tpu.memory_space<vmem>> -> memref<128xi32, #tpu.memory_space<vmem>>
    %dma_start3A_25 = tpu.memref_slice %arg4[%add3A_20] : memref<327680xi32, #tpu.memory_space<hbm>> -> memref<128xi32, #tpu.memory_space<hbm>>
    %dma_start3A_26 = arith.constant 0 : i32
    %dma_start3A_27 = tpu.memref_slice %arg8[%dma_start3A_21, %dma_start3A_26] : memref<2x128xi32, #tpu.memory_space<vmem>> -> memref<1x128xi32, #tpu.memory_space<vmem>>
    %dma_start3A_28 = tpu.memref_squeeze %dma_start3A_27 : memref<1x128xi32, #tpu.memory_space<vmem>> -> memref<128xi32, #tpu.memory_space<vmem>>
    %dma_start3A_29 = tpu.memref_slice %arg4[%add3A_20] : memref<327680xi32, #tpu.memory_space<hbm>> -> memref<128xi32, #tpu.memory_space<hbm>>
    tpu.enqueue_dma source(%dma_start3A_29 : memref<128xi32, #tpu.memory_space<hbm>>) target(%dma_start3A_28 : memref<128xi32, #tpu.memory_space<vmem>>) target_semaphore(%arg13 : memref<!tpu.dma_semaphore, #tpu.memory_space<semaphore_mem>>)
    %mul3A_30 = arith.constant 632 : i32
    %mul3A_31 = arith.muli %arg1, %mul3A_30 : i32
    %mul3A_32 = arith.constant 632 : i32
    %mul3A_33 = arith.muli %arg1, %mul3A_32 : i32
    "tpu.region"() ({
      %run_scoped3A_120 = tpu.sem_alloc : memref<!tpu.dma_semaphore, #tpu.memory_space<semaphore_mem>>
      %dma_start3A_121 = arith.constant 0 : i32
      %dma_start3A_122 = tpu.memref_slice %arg14[%mul3A_33, %dma_start3A_121] : memref<10112x128xf32, #tpu.memory_space<vmem_shared>> -> memref<632x128xf32, #tpu.memory_space<vmem_shared>>
      %dma_start3A_123 = arith.constant 0 : i32
      %dma_start3A_124 = tpu.memref_slice %arg5[%mul3A_31, %dma_start3A_123] : memref<10112x128xf32, #tpu.memory_space<hbm>> -> memref<632x128xf32, #tpu.memory_space<hbm>>
      tpu.enqueue_dma source(%dma_start3A_124 : memref<632x128xf32, #tpu.memory_space<hbm>>) target(%dma_start3A_122 : memref<632x128xf32, #tpu.memory_space<vmem_shared>>) target_semaphore(%run_scoped3A_120 : memref<!tpu.dma_semaphore, #tpu.memory_space<semaphore_mem>>)
      %dma_wait3A_125 = arith.constant 0 : i32
      %dma_wait3A_126 = tpu.memref_slice %arg14[%mul3A_33, %dma_wait3A_125] : memref<10112x128xf32, #tpu.memory_space<vmem_shared>> -> memref<632x128xf32, #tpu.memory_space<vmem_shared>>
      %dma_wait3A_127 = arith.constant 0 : i32
      %dma_wait3A_128 = tpu.memref_slice %arg5[%mul3A_31, %dma_wait3A_127] : memref<10112x128xf32, #tpu.memory_space<hbm>> -> memref<632x128xf32, #tpu.memory_space<hbm>>
      tpu.wait_dma2 semaphore(%run_scoped3A_120 : memref<!tpu.dma_semaphore, #tpu.memory_space<semaphore_mem>>) src(%dma_wait3A_128 : memref<632x128xf32, #tpu.memory_space<hbm>>) dst(%dma_wait3A_126 : memref<632x128xf32, #tpu.memory_space<vmem_shared>>)
      tpu.yield
    }) : () -> ()
    %dma_wait3A = arith.constant 0 : i32
    %dma_wait3A_34 = tpu.memref_slice %arg3[%mul3A_2, %dma_wait3A] : memref<2560x128xi32, #tpu.memory_space<hbm>> -> memref<80x128xi32, #tpu.memory_space<hbm>>
    %dma_wait3A_35 = arith.constant 0 : i32
    %dma_wait3A_36 = tpu.memref_slice %arg3[%mul3A_2, %dma_wait3A_35] : memref<2560x128xi32, #tpu.memory_space<hbm>> -> memref<80x128xi32, #tpu.memory_space<hbm>>
    tpu.wait_dma2 semaphore(%arg10 : memref<!tpu.dma_semaphore, #tpu.memory_space<semaphore_mem>>) src(%dma_wait3A_36 : memref<80x128xi32, #tpu.memory_space<hbm>>) dst(%arg7 : memref<80x128xi32, #tpu.memory_space<vmem>>)
    %barrier3A = arith.constant 0 : index
    tpu.barrier barrier_id(%barrier3A)
    %dma_start3A_37 = arith.constant 0 : i32
    %dma_start3A_38 = arith.constant 0 : i32
    %dma_start3A_39 = arith.constant 0 : i32
    %dma_start3A_40 = arith.constant 0 : i32
    %dma_start3A_41 = tpu.memref_slice %arg9[%dma_start3A_38, %dma_start3A_39, %dma_start3A_40] : memref<2x128x128xf32, #tpu.memory_space<vmem>> -> memref<1x128x128xf32, #tpu.memory_space<vmem>>
    %dma_start3A_42 = tpu.memref_squeeze %dma_start3A_41 : memref<1x128x128xf32, #tpu.memory_space<vmem>> -> memref<128x128xf32, #tpu.memory_space<vmem>>
    %dma_start3A_43 = arith.constant 0 : i32
    %dma_start3A_44 = tpu.memref_slice %arg7[%dma_start3A_37, %dma_start3A_43] : memref<80x128xi32, #tpu.memory_space<vmem>> -> memref<1x128xi32, #tpu.memory_space<vmem>>
    %dma_start3A_45 = tpu.memref_squeeze %dma_start3A_44 : memref<1x128xi32, #tpu.memory_space<vmem>> -> memref<128xi32, #tpu.memory_space<vmem>>
    %dma_start3A_46 = arith.constant 0 : i32
    %dma_start3A_47 = arith.constant 0 : i32
    %dma_start3A_48 = tpu.memref_slice %arg2[%dma_start3A_46, %dma_start3A_47] : memref<10112x128xf32, #tpu.memory_space<hbm>> -> memref<10112x128xf32, #tpu.memory_space<hbm>>
    tpu.enqueue_indirect_dma source(%dma_start3A_48 : memref<10112x128xf32, #tpu.memory_space<hbm>>) target(%dma_start3A_42 : memref<128x128xf32, #tpu.memory_space<vmem>>) offsets(%dma_start3A_45 : memref<128xi32, #tpu.memory_space<vmem>>) semaphore(%arg10 : memref<!tpu.dma_semaphore, #tpu.memory_space<semaphore_mem>>)
    %scan3A = arith.constant 0 : i32
    %scan3A_49 = arith.constant 0 : i32
    %scan3A_50 = arith.constant 39 : i32
    %scan3A_51 = arith.addi %scan3A_49, %scan3A_50 : i32
    %scan3A_52 = arith.constant 1 : i32
    scf.for %scan3A_120 = %scan3A_49 to %scan3A_51 step %scan3A_52  : i32 {
      %mul3A_121 = arith.constant 2 : i32
      %mul3A_122 = arith.muli %scan3A_120, %mul3A_121 : i32
      %add3A_123 = arith.constant 0 : i32
      %add3A_124 = arith.addi %mul3A_122, %add3A_123 : i32
      %dma_wait3A_125 = arith.constant 0 : i32
      %dma_wait3A_126 = arith.constant 0 : i32
      %dma_wait3A_127 = arith.constant 0 : i32
      %dma_wait3A_128 = tpu.memref_slice %arg9[%dma_wait3A_125, %dma_wait3A_126, %dma_wait3A_127] : memref<2x128x128xf32, #tpu.memory_space<vmem>> -> memref<1x128x128xf32, #tpu.memory_space<vmem>>
      %dma_wait3A_129 = tpu.memref_squeeze %dma_wait3A_128 : memref<1x128x128xf32, #tpu.memory_space<vmem>> -> memref<128x128xf32, #tpu.memory_space<vmem>>
      %dma_wait3A_130 = arith.constant 0 : i32
      %dma_wait3A_131 = tpu.memref_slice %arg7[%add3A_124, %dma_wait3A_130] : memref<80x128xi32, #tpu.memory_space<vmem>> -> memref<1x128xi32, #tpu.memory_space<vmem>>
      %dma_wait3A_132 = tpu.memref_squeeze %dma_wait3A_131 : memref<1x128xi32, #tpu.memory_space<vmem>> -> memref<128xi32, #tpu.memory_space<vmem>>
      %dma_wait3A_133 = arith.constant 0 : i32
      %dma_wait3A_134 = arith.constant 0 : i32
      %dma_wait3A_135 = tpu.memref_slice %arg2[%dma_wait3A_133, %dma_wait3A_134] : memref<10112x128xf32, #tpu.memory_space<hbm>> -> memref<10112x128xf32, #tpu.memory_space<hbm>>
      tpu.wait_indirect_dma semaphore(%arg10 : memref<!tpu.dma_semaphore, #tpu.memory_space<semaphore_mem>>) src(%dma_wait3A_135 : memref<10112x128xf32, #tpu.memory_space<hbm>>) dst(%dma_wait3A_129 : memref<128x128xf32, #tpu.memory_space<vmem>>)
      %add3A_136 = arith.constant 1 : i32
      %add3A_137 = arith.addi %add3A_124, %add3A_136 : i32
      %dma_start3A_138 = arith.constant 1 : i32
      %dma_start3A_139 = arith.constant 0 : i32
      %dma_start3A_140 = arith.constant 0 : i32
      %dma_start3A_141 = tpu.memref_slice %arg9[%dma_start3A_138, %dma_start3A_139, %dma_start3A_140] : memref<2x128x128xf32, #tpu.memory_space<vmem>> -> memref<1x128x128xf32, #tpu.memory_space<vmem>>
      %dma_start3A_142 = tpu.memref_squeeze %dma_start3A_141 : memref<1x128x128xf32, #tpu.memory_space<vmem>> -> memref<128x128xf32, #tpu.memory_space<vmem>>
      %dma_start3A_143 = arith.constant 0 : i32
      %dma_start3A_144 = tpu.memref_slice %arg7[%add3A_137, %dma_start3A_143] : memref<80x128xi32, #tpu.memory_space<vmem>> -> memref<1x128xi32, #tpu.memory_space<vmem>>
      %dma_start3A_145 = tpu.memref_squeeze %dma_start3A_144 : memref<1x128xi32, #tpu.memory_space<vmem>> -> memref<128xi32, #tpu.memory_space<vmem>>
      %dma_start3A_146 = arith.constant 0 : i32
      %dma_start3A_147 = arith.constant 0 : i32
      %dma_start3A_148 = tpu.memref_slice %arg2[%dma_start3A_146, %dma_start3A_147] : memref<10112x128xf32, #tpu.memory_space<hbm>> -> memref<10112x128xf32, #tpu.memory_space<hbm>>
      tpu.enqueue_indirect_dma source(%dma_start3A_148 : memref<10112x128xf32, #tpu.memory_space<hbm>>) target(%dma_start3A_142 : memref<128x128xf32, #tpu.memory_space<vmem>>) offsets(%dma_start3A_145 : memref<128xi32, #tpu.memory_space<vmem>>) semaphore(%arg11 : memref<!tpu.dma_semaphore, #tpu.memory_space<semaphore_mem>>)
      %mul3A_149 = arith.constant 128 : i32
      %mul3A_150 = arith.muli %add3A_124, %mul3A_149 : i32
      %add3A_151 = arith.addi %mul3A_4, %mul3A_150 : i32
      %dma_wait3A_152 = arith.constant 0 : i32
      %dma_wait3A_153 = arith.constant 0 : i32
      %dma_wait3A_154 = tpu.memref_slice %arg8[%dma_wait3A_152, %dma_wait3A_153] : memref<2x128xi32, #tpu.memory_space<vmem>> -> memref<1x128xi32, #tpu.memory_space<vmem>>
      %dma_wait3A_155 = tpu.memref_squeeze %dma_wait3A_154 : memref<1x128xi32, #tpu.memory_space<vmem>> -> memref<128xi32, #tpu.memory_space<vmem>>
      %dma_wait3A_156 = tpu.memref_slice %arg4[%add3A_151] : memref<327680xi32, #tpu.memory_space<hbm>> -> memref<128xi32, #tpu.memory_space<hbm>>
      %dma_wait3A_157 = arith.constant 0 : i32
      %dma_wait3A_158 = tpu.memref_slice %arg8[%dma_wait3A_152, %dma_wait3A_157] : memref<2x128xi32, #tpu.memory_space<vmem>> -> memref<1x128xi32, #tpu.memory_space<vmem>>
      %dma_wait3A_159 = tpu.memref_squeeze %dma_wait3A_158 : memref<1x128xi32, #tpu.memory_space<vmem>> -> memref<128xi32, #tpu.memory_space<vmem>>
      %dma_wait3A_160 = tpu.memref_slice %arg4[%add3A_151] : memref<327680xi32, #tpu.memory_space<hbm>> -> memref<128xi32, #tpu.memory_space<hbm>>
      tpu.wait_dma2 semaphore(%arg12 : memref<!tpu.dma_semaphore, #tpu.memory_space<semaphore_mem>>) src(%dma_wait3A_160 : memref<128xi32, #tpu.memory_space<hbm>>) dst(%dma_wait3A_159 : memref<128xi32, #tpu.memory_space<vmem>>)
      %run_scoped3A_161 = arith.constant 0 : i32
      %run_scoped3A_162 = arith.constant 0 : i32
      "tpu.region"() ({
        %run_scoped3A_233 = tpu.sem_alloc : memref<!tpu.dma_semaphore, #tpu.memory_space<semaphore_mem>>
        %dma_start3A_234 = arith.constant 0 : i32
        %dma_start3A_235 = arith.constant 0 : i32
        %dma_start3A_236 = tpu.memref_slice %arg9[%run_scoped3A_161, %dma_start3A_234, %dma_start3A_235] : memref<2x128x128xf32, #tpu.memory_space<vmem>> -> memref<1x128x128xf32, #tpu.memory_space<vmem>>
        %dma_start3A_237 = tpu.memref_squeeze %dma_start3A_236 : memref<1x128x128xf32, #tpu.memory_space<vmem>> -> memref<128x128xf32, #tpu.memory_space<vmem>>
        %dma_start3A_238 = arith.constant 0 : i32
        %dma_start3A_239 = tpu.memref_slice %arg8[%run_scoped3A_162, %dma_start3A_238] : memref<2x128xi32, #tpu.memory_space<vmem>> -> memref<1x128xi32, #tpu.memory_space<vmem>>
        %dma_start3A_240 = tpu.memref_squeeze %dma_start3A_239 : memref<1x128xi32, #tpu.memory_space<vmem>> -> memref<128xi32, #tpu.memory_space<vmem>>
        %dma_start3A_241 = arith.constant 0 : i32
        %dma_start3A_242 = arith.constant 0 : i32
        %dma_start3A_243 = tpu.memref_slice %arg14[%dma_start3A_241, %dma_start3A_242] : memref<10112x128xf32, #tpu.memory_space<vmem_shared>> -> memref<10112x128xf32, #tpu.memory_space<vmem_shared>>
        tpu.enqueue_indirect_dma source(%dma_start3A_237 : memref<128x128xf32, #tpu.memory_space<vmem>>) target(%dma_start3A_243 : memref<10112x128xf32, #tpu.memory_space<vmem_shared>>) offsets(%dma_start3A_240 : memref<128xi32, #tpu.memory_space<vmem>>) semaphore(%run_scoped3A_233 : memref<!tpu.dma_semaphore, #tpu.memory_space<semaphore_mem>>) {add = true}
        %dma_wait3A_244 = arith.constant 0 : i32
        %dma_wait3A_245 = arith.constant 0 : i32
        %dma_wait3A_246 = tpu.memref_slice %arg9[%run_scoped3A_161, %dma_wait3A_244, %dma_wait3A_245] : memref<2x128x128xf32, #tpu.memory_space<vmem>> -> memref<1x128x128xf32, #tpu.memory_space<vmem>>
        %dma_wait3A_247 = tpu.memref_squeeze %dma_wait3A_246 : memref<1x128x128xf32, #tpu.memory_space<vmem>> -> memref<128x128xf32, #tpu.memory_space<vmem>>
        %dma_wait3A_248 = arith.constant 0 : i32
        %dma_wait3A_249 = tpu.memref_slice %arg8[%run_scoped3A_162, %dma_wait3A_248] : memref<2x128xi32, #tpu.memory_space<vmem>> -> memref<1x128xi32, #tpu.memory_space<vmem>>
        %dma_wait3A_250 = tpu.memref_squeeze %dma_wait3A_249 : memref<1x128xi32, #tpu.memory_space<vmem>> -> memref<128xi32, #tpu.memory_space<vmem>>
        %dma_wait3A_251 = arith.constant 0 : i32
        %dma_wait3A_252 = arith.constant 0 : i32
        %dma_wait3A_253 = tpu.memref_slice %arg14[%dma_wait3A_251, %dma_wait3A_252] : memref<10112x128xf32, #tpu.memory_space<vmem_shared>> -> memref<10112x128xf32, #tpu.memory_space<vmem_shared>>
        tpu.wait_indirect_dma semaphore(%run_scoped3A_233 : memref<!tpu.dma_semaphore, #tpu.memory_space<semaphore_mem>>) src(%dma_wait3A_247 : memref<128x128xf32, #tpu.memory_space<vmem>>) dst(%dma_wait3A_253 : memref<10112x128xf32, #tpu.memory_space<vmem_shared>>)
        tpu.yield
      }) : () -> ()
      %add3A_163 = arith.constant 2 : i32
      %add3A_164 = arith.addi %add3A_124, %add3A_163 : i32
      %mul3A_165 = arith.constant 128 : i32
      %mul3A_166 = arith.muli %add3A_164, %mul3A_165 : i32
      %add3A_167 = arith.addi %mul3A_4, %mul3A_166 : i32
      %dma_start3A_168 = arith.constant 0 : i32
      %dma_start3A_169 = arith.constant 0 : i32
      %dma_start3A_170 = tpu.memref_slice %arg8[%dma_start3A_168, %dma_start3A_169] : memref<2x128xi32, #tpu.memory_space<vmem>> -> memref<1x128xi32, #tpu.memory_space<vmem>>
      %dma_start3A_171 = tpu.memref_squeeze %dma_start3A_170 : memref<1x128xi32, #tpu.memory_space<vmem>> -> memref<128xi32, #tpu.memory_space<vmem>>
      %dma_start3A_172 = tpu.memref_slice %arg4[%add3A_167] : memref<327680xi32, #tpu.memory_space<hbm>> -> memref<128xi32, #tpu.memory_space<hbm>>
      %dma_start3A_173 = arith.constant 0 : i32
      %dma_start3A_174 = tpu.memref_slice %arg8[%dma_start3A_168, %dma_start3A_173] : memref<2x128xi32, #tpu.memory_space<vmem>> -> memref<1x128xi32, #tpu.memory_space<vmem>>
      %dma_start3A_175 = tpu.memref_squeeze %dma_start3A_174 : memref<1x128xi32, #tpu.memory_space<vmem>> -> memref<128xi32, #tpu.memory_space<vmem>>
      %dma_start3A_176 = tpu.memref_slice %arg4[%add3A_167] : memref<327680xi32, #tpu.memory_space<hbm>> -> memref<128xi32, #tpu.memory_space<hbm>>
      tpu.enqueue_dma source(%dma_start3A_176 : memref<128xi32, #tpu.memory_space<hbm>>) target(%dma_start3A_175 : memref<128xi32, #tpu.memory_space<vmem>>) target_semaphore(%arg12 : memref<!tpu.dma_semaphore, #tpu.memory_space<semaphore_mem>>)
      %mul3A_177 = arith.constant 2 : i32
      %mul3A_178 = arith.muli %scan3A_120, %mul3A_177 : i32
      %add3A_179 = arith.constant 1 : i32
      %add3A_180 = arith.addi %mul3A_178, %add3A_179 : i32
      %dma_wait3A_181 = arith.constant 1 : i32
      %dma_wait3A_182 = arith.constant 0 : i32
      %dma_wait3A_183 = arith.constant 0 : i32
      %dma_wait3A_184 = tpu.memref_slice %arg9[%dma_wait3A_181, %dma_wait3A_182, %dma_wait3A_183] : memref<2x128x128xf32, #tpu.memory_space<vmem>> -> memref<1x128x128xf32, #tpu.memory_space<vmem>>
      %dma_wait3A_185 = tpu.memref_squeeze %dma_wait3A_184 : memref<1x128x128xf32, #tpu.memory_space<vmem>> -> memref<128x128xf32, #tpu.memory_space<vmem>>
      %dma_wait3A_186 = arith.constant 0 : i32
      %dma_wait3A_187 = tpu.memref_slice %arg7[%add3A_180, %dma_wait3A_186] : memref<80x128xi32, #tpu.memory_space<vmem>> -> memref<1x128xi32, #tpu.memory_space<vmem>>
      %dma_wait3A_188 = tpu.memref_squeeze %dma_wait3A_187 : memref<1x128xi32, #tpu.memory_space<vmem>> -> memref<128xi32, #tpu.memory_space<vmem>>
      %dma_wait3A_189 = arith.constant 0 : i32
      %dma_wait3A_190 = arith.constant 0 : i32
      %dma_wait3A_191 = tpu.memref_slice %arg2[%dma_wait3A_189, %dma_wait3A_190] : memref<10112x128xf32, #tpu.memory_space<hbm>> -> memref<10112x128xf32, #tpu.memory_space<hbm>>
      tpu.wait_indirect_dma semaphore(%arg11 : memref<!tpu.dma_semaphore, #tpu.memory_space<semaphore_mem>>) src(%dma_wait3A_191 : memref<10112x128xf32, #tpu.memory_space<hbm>>) dst(%dma_wait3A_185 : memref<128x128xf32, #tpu.memory_space<vmem>>)
      %add3A_192 = arith.constant 1 : i32
      %add3A_193 = arith.addi %add3A_180, %add3A_192 : i32
      %dma_start3A_194 = arith.constant 0 : i32
      %dma_start3A_195 = arith.constant 0 : i32
      %dma_start3A_196 = arith.constant 0 : i32
      %dma_start3A_197 = tpu.memref_slice %arg9[%dma_start3A_194, %dma_start3A_195, %dma_start3A_196] : memref<2x128x128xf32, #tpu.memory_space<vmem>> -> memref<1x128x128xf32, #tpu.memory_space<vmem>>
      %dma_start3A_198 = tpu.memref_squeeze %dma_start3A_197 : memref<1x128x128xf32, #tpu.memory_space<vmem>> -> memref<128x128xf32, #tpu.memory_space<vmem>>
      %dma_start3A_199 = arith.constant 0 : i32
      %dma_start3A_200 = tpu.memref_slice %arg7[%add3A_193, %dma_start3A_199] : memref<80x128xi32, #tpu.memory_space<vmem>> -> memref<1x128xi32, #tpu.memory_space<vmem>>
      %dma_start3A_201 = tpu.memref_squeeze %dma_start3A_200 : memref<1x128xi32, #tpu.memory_space<vmem>> -> memref<128xi32, #tpu.memory_space<vmem>>
      %dma_start3A_202 = arith.constant 0 : i32
      %dma_start3A_203 = arith.constant 0 : i32
      %dma_start3A_204 = tpu.memref_slice %arg2[%dma_start3A_202, %dma_start3A_203] : memref<10112x128xf32, #tpu.memory_space<hbm>> -> memref<10112x128xf32, #tpu.memory_space<hbm>>
      tpu.enqueue_indirect_dma source(%dma_start3A_204 : memref<10112x128xf32, #tpu.memory_space<hbm>>) target(%dma_start3A_198 : memref<128x128xf32, #tpu.memory_space<vmem>>) offsets(%dma_start3A_201 : memref<128xi32, #tpu.memory_space<vmem>>) semaphore(%arg10 : memref<!tpu.dma_semaphore, #tpu.memory_space<semaphore_mem>>)
      %mul3A_205 = arith.constant 128 : i32
      %mul3A_206 = arith.muli %add3A_180, %mul3A_205 : i32
      %add3A_207 = arith.addi %mul3A_4, %mul3A_206 : i32
      %dma_wait3A_208 = arith.constant 1 : i32
      %dma_wait3A_209 = arith.constant 0 : i32
      %dma_wait3A_210 = tpu.memref_slice %arg8[%dma_wait3A_208, %dma_wait3A_209] : memref<2x128xi32, #tpu.memory_space<vmem>> -> memref<1x128xi32, #tpu.memory_space<vmem>>
      %dma_wait3A_211 = tpu.memref_squeeze %dma_wait3A_210 : memref<1x128xi32, #tpu.memory_space<vmem>> -> memref<128xi32, #tpu.memory_space<vmem>>
      %dma_wait3A_212 = tpu.memref_slice %arg4[%add3A_207] : memref<327680xi32, #tpu.memory_space<hbm>> -> memref<128xi32, #tpu.memory_space<hbm>>
      %dma_wait3A_213 = arith.constant 0 : i32
      %dma_wait3A_214 = tpu.memref_slice %arg8[%dma_wait3A_208, %dma_wait3A_213] : memref<2x128xi32, #tpu.memory_space<vmem>> -> memref<1x128xi32, #tpu.memory_space<vmem>>
      %dma_wait3A_215 = tpu.memref_squeeze %dma_wait3A_214 : memref<1x128xi32, #tpu.memory_space<vmem>> -> memref<128xi32, #tpu.memory_space<vmem>>
      %dma_wait3A_216 = tpu.memref_slice %arg4[%add3A_207] : memref<327680xi32, #tpu.memory_space<hbm>> -> memref<128xi32, #tpu.memory_space<hbm>>
      tpu.wait_dma2 semaphore(%arg13 : memref<!tpu.dma_semaphore, #tpu.memory_space<semaphore_mem>>) src(%dma_wait3A_216 : memref<128xi32, #tpu.memory_space<hbm>>) dst(%dma_wait3A_215 : memref<128xi32, #tpu.memory_space<vmem>>)
      %run_scoped3A_217 = arith.constant 1 : i32
      %run_scoped3A_218 = arith.constant 1 : i32
      "tpu.region"() ({
        %run_scoped3A_233 = tpu.sem_alloc : memref<!tpu.dma_semaphore, #tpu.memory_space<semaphore_mem>>
        %dma_start3A_234 = arith.constant 0 : i32
        %dma_start3A_235 = arith.constant 0 : i32
        %dma_start3A_236 = tpu.memref_slice %arg9[%run_scoped3A_217, %dma_start3A_234, %dma_start3A_235] : memref<2x128x128xf32, #tpu.memory_space<vmem>> -> memref<1x128x128xf32, #tpu.memory_space<vmem>>
        %dma_start3A_237 = tpu.memref_squeeze %dma_start3A_236 : memref<1x128x128xf32, #tpu.memory_space<vmem>> -> memref<128x128xf32, #tpu.memory_space<vmem>>
        %dma_start3A_238 = arith.constant 0 : i32
        %dma_start3A_239 = tpu.memref_slice %arg8[%run_scoped3A_218, %dma_start3A_238] : memref<2x128xi32, #tpu.memory_space<vmem>> -> memref<1x128xi32, #tpu.memory_space<vmem>>
        %dma_start3A_240 = tpu.memref_squeeze %dma_start3A_239 : memref<1x128xi32, #tpu.memory_space<vmem>> -> memref<128xi32, #tpu.memory_space<vmem>>
        %dma_start3A_241 = arith.constant 0 : i32
        %dma_start3A_242 = arith.constant 0 : i32
        %dma_start3A_243 = tpu.memref_slice %arg14[%dma_start3A_241, %dma_start3A_242] : memref<10112x128xf32, #tpu.memory_space<vmem_shared>> -> memref<10112x128xf32, #tpu.memory_space<vmem_shared>>
        tpu.enqueue_indirect_dma source(%dma_start3A_237 : memref<128x128xf32, #tpu.memory_space<vmem>>) target(%dma_start3A_243 : memref<10112x128xf32, #tpu.memory_space<vmem_shared>>) offsets(%dma_start3A_240 : memref<128xi32, #tpu.memory_space<vmem>>) semaphore(%run_scoped3A_233 : memref<!tpu.dma_semaphore, #tpu.memory_space<semaphore_mem>>) {add = true}
        %dma_wait3A_244 = arith.constant 0 : i32
        %dma_wait3A_245 = arith.constant 0 : i32
        %dma_wait3A_246 = tpu.memref_slice %arg9[%run_scoped3A_217, %dma_wait3A_244, %dma_wait3A_245] : memref<2x128x128xf32, #tpu.memory_space<vmem>> -> memref<1x128x128xf32, #tpu.memory_space<vmem>>
        %dma_wait3A_247 = tpu.memref_squeeze %dma_wait3A_246 : memref<1x128x128xf32, #tpu.memory_space<vmem>> -> memref<128x128xf32, #tpu.memory_space<vmem>>
        %dma_wait3A_248 = arith.constant 0 : i32
        %dma_wait3A_249 = tpu.memref_slice %arg8[%run_scoped3A_218, %dma_wait3A_248] : memref<2x128xi32, #tpu.memory_space<vmem>> -> memref<1x128xi32, #tpu.memory_space<vmem>>
        %dma_wait3A_250 = tpu.memref_squeeze %dma_wait3A_249 : memref<1x128xi32, #tpu.memory_space<vmem>> -> memref<128xi32, #tpu.memory_space<vmem>>
        %dma_wait3A_251 = arith.constant 0 : i32
        %dma_wait3A_252 = arith.constant 0 : i32
        %dma_wait3A_253 = tpu.memref_slice %arg14[%dma_wait3A_251, %dma_wait3A_252] : memref<10112x128xf32, #tpu.memory_space<vmem_shared>> -> memref<10112x128xf32, #tpu.memory_space<vmem_shared>>
        tpu.wait_indirect_dma semaphore(%run_scoped3A_233 : memref<!tpu.dma_semaphore, #tpu.memory_space<semaphore_mem>>) src(%dma_wait3A_247 : memref<128x128xf32, #tpu.memory_space<vmem>>) dst(%dma_wait3A_253 : memref<10112x128xf32, #tpu.memory_space<vmem_shared>>)
        tpu.yield
      }) : () -> ()
      %add3A_219 = arith.constant 2 : i32
      %add3A_220 = arith.addi %add3A_180, %add3A_219 : i32
      %mul3A_221 = arith.constant 128 : i32
      %mul3A_222 = arith.muli %add3A_220, %mul3A_221 : i32
      %add3A_223 = arith.addi %mul3A_4, %mul3A_222 : i32
      %dma_start3A_224 = arith.constant 1 : i32
      %dma_start3A_225 = arith.constant 0 : i32
      %dma_start3A_226 = tpu.memref_slice %arg8[%dma_start3A_224, %dma_start3A_225] : memref<2x128xi32, #tpu.memory_space<vmem>> -> memref<1x128xi32, #tpu.memory_space<vmem>>
      %dma_start3A_227 = tpu.memref_squeeze %dma_start3A_226 : memref<1x128xi32, #tpu.memory_space<vmem>> -> memref<128xi32, #tpu.memory_space<vmem>>
      %dma_start3A_228 = tpu.memref_slice %arg4[%add3A_223] : memref<327680xi32, #tpu.memory_space<hbm>> -> memref<128xi32, #tpu.memory_space<hbm>>
      %dma_start3A_229 = arith.constant 0 : i32
      %dma_start3A_230 = tpu.memref_slice %arg8[%dma_start3A_224, %dma_start3A_229] : memref<2x128xi32, #tpu.memory_space<vmem>> -> memref<1x128xi32, #tpu.memory_space<vmem>>
      %dma_start3A_231 = tpu.memref_squeeze %dma_start3A_230 : memref<1x128xi32, #tpu.memory_space<vmem>> -> memref<128xi32, #tpu.memory_space<vmem>>
      %dma_start3A_232 = tpu.memref_slice %arg4[%add3A_223] : memref<327680xi32, #tpu.memory_space<hbm>> -> memref<128xi32, #tpu.memory_space<hbm>>
      tpu.enqueue_dma source(%dma_start3A_232 : memref<128xi32, #tpu.memory_space<hbm>>) target(%dma_start3A_231 : memref<128xi32, #tpu.memory_space<vmem>>) target_semaphore(%arg13 : memref<!tpu.dma_semaphore, #tpu.memory_space<semaphore_mem>>)
    }
    %scan3A_53 = arith.constant 39 : i32
    %dma_wait3A_54 = arith.constant 78 : i32
    %dma_wait3A_55 = arith.constant 0 : i32
    %dma_wait3A_56 = arith.constant 0 : i32
    %dma_wait3A_57 = arith.constant 0 : i32
    %dma_wait3A_58 = tpu.memref_slice %arg9[%dma_wait3A_55, %dma_wait3A_56, %dma_wait3A_57] : memref<2x128x128xf32, #tpu.memory_space<vmem>> -> memref<1x128x128xf32, #tpu.memory_space<vmem>>
    %dma_wait3A_59 = tpu.memref_squeeze %dma_wait3A_58 : memref<1x128x128xf32, #tpu.memory_space<vmem>> -> memref<128x128xf32, #tpu.memory_space<vmem>>
    %dma_wait3A_60 = arith.constant 0 : i32
    %dma_wait3A_61 = tpu.memref_slice %arg7[%dma_wait3A_54, %dma_wait3A_60] : memref<80x128xi32, #tpu.memory_space<vmem>> -> memref<1x128xi32, #tpu.memory_space<vmem>>
    %dma_wait3A_62 = tpu.memref_squeeze %dma_wait3A_61 : memref<1x128xi32, #tpu.memory_space<vmem>> -> memref<128xi32, #tpu.memory_space<vmem>>
    %dma_wait3A_63 = arith.constant 0 : i32
    %dma_wait3A_64 = arith.constant 0 : i32
    %dma_wait3A_65 = tpu.memref_slice %arg2[%dma_wait3A_63, %dma_wait3A_64] : memref<10112x128xf32, #tpu.memory_space<hbm>> -> memref<10112x128xf32, #tpu.memory_space<hbm>>
    tpu.wait_indirect_dma semaphore(%arg10 : memref<!tpu.dma_semaphore, #tpu.memory_space<semaphore_mem>>) src(%dma_wait3A_65 : memref<10112x128xf32, #tpu.memory_space<hbm>>) dst(%dma_wait3A_59 : memref<128x128xf32, #tpu.memory_space<vmem>>)
    %dma_start3A_66 = arith.constant 79 : i32
    %dma_start3A_67 = arith.constant 1 : i32
    %dma_start3A_68 = arith.constant 0 : i32
    %dma_start3A_69 = arith.constant 0 : i32
    %dma_start3A_70 = tpu.memref_slice %arg9[%dma_start3A_67, %dma_start3A_68, %dma_start3A_69] : memref<2x128x128xf32, #tpu.memory_space<vmem>> -> memref<1x128x128xf32, #tpu.memory_space<vmem>>
    %dma_start3A_71 = tpu.memref_squeeze %dma_start3A_70 : memref<1x128x128xf32, #tpu.memory_space<vmem>> -> memref<128x128xf32, #tpu.memory_space<vmem>>
    %dma_start3A_72 = arith.constant 0 : i32
    %dma_start3A_73 = tpu.memref_slice %arg7[%dma_start3A_66, %dma_start3A_72] : memref<80x128xi32, #tpu.memory_space<vmem>> -> memref<1x128xi32, #tpu.memory_space<vmem>>
    %dma_start3A_74 = tpu.memref_squeeze %dma_start3A_73 : memref<1x128xi32, #tpu.memory_space<vmem>> -> memref<128xi32, #tpu.memory_space<vmem>>
    %dma_start3A_75 = arith.constant 0 : i32
    %dma_start3A_76 = arith.constant 0 : i32
    %dma_start3A_77 = tpu.memref_slice %arg2[%dma_start3A_75, %dma_start3A_76] : memref<10112x128xf32, #tpu.memory_space<hbm>> -> memref<10112x128xf32, #tpu.memory_space<hbm>>
    tpu.enqueue_indirect_dma source(%dma_start3A_77 : memref<10112x128xf32, #tpu.memory_space<hbm>>) target(%dma_start3A_71 : memref<128x128xf32, #tpu.memory_space<vmem>>) offsets(%dma_start3A_74 : memref<128xi32, #tpu.memory_space<vmem>>) semaphore(%arg11 : memref<!tpu.dma_semaphore, #tpu.memory_space<semaphore_mem>>)
    %add3A_78 = arith.constant 9984 : i32
    %add3A_79 = arith.addi %mul3A_4, %add3A_78 : i32
    %dma_wait3A_80 = arith.constant 0 : i32
    %dma_wait3A_81 = arith.constant 0 : i32
    %dma_wait3A_82 = tpu.memref_slice %arg8[%dma_wait3A_80, %dma_wait3A_81] : memref<2x128xi32, #tpu.memory_space<vmem>> -> memref<1x128xi32, #tpu.memory_space<vmem>>
    %dma_wait3A_83 = tpu.memref_squeeze %dma_wait3A_82 : memref<1x128xi32, #tpu.memory_space<vmem>> -> memref<128xi32, #tpu.memory_space<vmem>>
    %dma_wait3A_84 = tpu.memref_slice %arg4[%add3A_79] : memref<327680xi32, #tpu.memory_space<hbm>> -> memref<128xi32, #tpu.memory_space<hbm>>
    %dma_wait3A_85 = arith.constant 0 : i32
    %dma_wait3A_86 = tpu.memref_slice %arg8[%dma_wait3A_80, %dma_wait3A_85] : memref<2x128xi32, #tpu.memory_space<vmem>> -> memref<1x128xi32, #tpu.memory_space<vmem>>
    %dma_wait3A_87 = tpu.memref_squeeze %dma_wait3A_86 : memref<1x128xi32, #tpu.memory_space<vmem>> -> memref<128xi32, #tpu.memory_space<vmem>>
    %dma_wait3A_88 = tpu.memref_slice %arg4[%add3A_79] : memref<327680xi32, #tpu.memory_space<hbm>> -> memref<128xi32, #tpu.memory_space<hbm>>
    tpu.wait_dma2 semaphore(%arg12 : memref<!tpu.dma_semaphore, #tpu.memory_space<semaphore_mem>>) src(%dma_wait3A_88 : memref<128xi32, #tpu.memory_space<hbm>>) dst(%dma_wait3A_87 : memref<128xi32, #tpu.memory_space<vmem>>)
    %run_scoped3A = arith.constant 0 : i32
    %run_scoped3A_89 = arith.constant 0 : i32
    "tpu.region"() ({
      %run_scoped3A_120 = tpu.sem_alloc : memref<!tpu.dma_semaphore, #tpu.memory_space<semaphore_mem>>
      %dma_start3A_121 = arith.constant 0 : i32
      %dma_start3A_122 = arith.constant 0 : i32
      %dma_start3A_123 = tpu.memref_slice %arg9[%run_scoped3A, %dma_start3A_121, %dma_start3A_122] : memref<2x128x128xf32, #tpu.memory_space<vmem>> -> memref<1x128x128xf32, #tpu.memory_space<vmem>>
      %dma_start3A_124 = tpu.memref_squeeze %dma_start3A_123 : memref<1x128x128xf32, #tpu.memory_space<vmem>> -> memref<128x128xf32, #tpu.memory_space<vmem>>
      %dma_start3A_125 = arith.constant 0 : i32
      %dma_start3A_126 = tpu.memref_slice %arg8[%run_scoped3A_89, %dma_start3A_125] : memref<2x128xi32, #tpu.memory_space<vmem>> -> memref<1x128xi32, #tpu.memory_space<vmem>>
      %dma_start3A_127 = tpu.memref_squeeze %dma_start3A_126 : memref<1x128xi32, #tpu.memory_space<vmem>> -> memref<128xi32, #tpu.memory_space<vmem>>
      %dma_start3A_128 = arith.constant 0 : i32
      %dma_start3A_129 = arith.constant 0 : i32
      %dma_start3A_130 = tpu.memref_slice %arg14[%dma_start3A_128, %dma_start3A_129] : memref<10112x128xf32, #tpu.memory_space<vmem_shared>> -> memref<10112x128xf32, #tpu.memory_space<vmem_shared>>
      tpu.enqueue_indirect_dma source(%dma_start3A_124 : memref<128x128xf32, #tpu.memory_space<vmem>>) target(%dma_start3A_130 : memref<10112x128xf32, #tpu.memory_space<vmem_shared>>) offsets(%dma_start3A_127 : memref<128xi32, #tpu.memory_space<vmem>>) semaphore(%run_scoped3A_120 : memref<!tpu.dma_semaphore, #tpu.memory_space<semaphore_mem>>) {add = true}
      %dma_wait3A_131 = arith.constant 0 : i32
      %dma_wait3A_132 = arith.constant 0 : i32
      %dma_wait3A_133 = tpu.memref_slice %arg9[%run_scoped3A, %dma_wait3A_131, %dma_wait3A_132] : memref<2x128x128xf32, #tpu.memory_space<vmem>> -> memref<1x128x128xf32, #tpu.memory_space<vmem>>
      %dma_wait3A_134 = tpu.memref_squeeze %dma_wait3A_133 : memref<1x128x128xf32, #tpu.memory_space<vmem>> -> memref<128x128xf32, #tpu.memory_space<vmem>>
      %dma_wait3A_135 = arith.constant 0 : i32
      %dma_wait3A_136 = tpu.memref_slice %arg8[%run_scoped3A_89, %dma_wait3A_135] : memref<2x128xi32, #tpu.memory_space<vmem>> -> memref<1x128xi32, #tpu.memory_space<vmem>>
      %dma_wait3A_137 = tpu.memref_squeeze %dma_wait3A_136 : memref<1x128xi32, #tpu.memory_space<vmem>> -> memref<128xi32, #tpu.memory_space<vmem>>
      %dma_wait3A_138 = arith.constant 0 : i32
      %dma_wait3A_139 = arith.constant 0 : i32
      %dma_wait3A_140 = tpu.memref_slice %arg14[%dma_wait3A_138, %dma_wait3A_139] : memref<10112x128xf32, #tpu.memory_space<vmem_shared>> -> memref<10112x128xf32, #tpu.memory_space<vmem_shared>>
      tpu.wait_indirect_dma semaphore(%run_scoped3A_120 : memref<!tpu.dma_semaphore, #tpu.memory_space<semaphore_mem>>) src(%dma_wait3A_134 : memref<128x128xf32, #tpu.memory_space<vmem>>) dst(%dma_wait3A_140 : memref<10112x128xf32, #tpu.memory_space<vmem_shared>>)
      tpu.yield
    }) : () -> ()
    %dma_wait3A_90 = arith.constant 79 : i32
    %dma_wait3A_91 = arith.constant 1 : i32
    %dma_wait3A_92 = arith.constant 0 : i32
    %dma_wait3A_93 = arith.constant 0 : i32
    %dma_wait3A_94 = tpu.memref_slice %arg9[%dma_wait3A_91, %dma_wait3A_92, %dma_wait3A_93] : memref<2x128x128xf32, #tpu.memory_space<vmem>> -> memref<1x128x128xf32, #tpu.memory_space<vmem>>
    %dma_wait3A_95 = tpu.memref_squeeze %dma_wait3A_94 : memref<1x128x128xf32, #tpu.memory_space<vmem>> -> memref<128x128xf32, #tpu.memory_space<vmem>>
    %dma_wait3A_96 = arith.constant 0 : i32
    %dma_wait3A_97 = tpu.memref_slice %arg7[%dma_wait3A_90, %dma_wait3A_96] : memref<80x128xi32, #tpu.memory_space<vmem>> -> memref<1x128xi32, #tpu.memory_space<vmem>>
    %dma_wait3A_98 = tpu.memref_squeeze %dma_wait3A_97 : memref<1x128xi32, #tpu.memory_space<vmem>> -> memref<128xi32, #tpu.memory_space<vmem>>
    %dma_wait3A_99 = arith.constant 0 : i32
    %dma_wait3A_100 = arith.constant 0 : i32
    %dma_wait3A_101 = tpu.memref_slice %arg2[%dma_wait3A_99, %dma_wait3A_100] : memref<10112x128xf32, #tpu.memory_space<hbm>> -> memref<10112x128xf32, #tpu.memory_space<hbm>>
    tpu.wait_indirect_dma semaphore(%arg11 : memref<!tpu.dma_semaphore, #tpu.memory_space<semaphore_mem>>) src(%dma_wait3A_101 : memref<10112x128xf32, #tpu.memory_space<hbm>>) dst(%dma_wait3A_95 : memref<128x128xf32, #tpu.memory_space<vmem>>)
    %add3A_102 = arith.constant 10112 : i32
    %add3A_103 = arith.addi %mul3A_4, %add3A_102 : i32
    %dma_wait3A_104 = arith.constant 1 : i32
    %dma_wait3A_105 = arith.constant 0 : i32
    %dma_wait3A_106 = tpu.memref_slice %arg8[%dma_wait3A_104, %dma_wait3A_105] : memref<2x128xi32, #tpu.memory_space<vmem>> -> memref<1x128xi32, #tpu.memory_space<vmem>>
    %dma_wait3A_107 = tpu.memref_squeeze %dma_wait3A_106 : memref<1x128xi32, #tpu.memory_space<vmem>> -> memref<128xi32, #tpu.memory_space<vmem>>
    %dma_wait3A_108 = tpu.memref_slice %arg4[%add3A_103] : memref<327680xi32, #tpu.memory_space<hbm>> -> memref<128xi32, #tpu.memory_space<hbm>>
    %dma_wait3A_109 = arith.constant 0 : i32
    %dma_wait3A_110 = tpu.memref_slice %arg8[%dma_wait3A_104, %dma_wait3A_109] : memref<2x128xi32, #tpu.memory_space<vmem>> -> memref<1x128xi32, #tpu.memory_space<vmem>>
    %dma_wait3A_111 = tpu.memref_squeeze %dma_wait3A_110 : memref<1x128xi32, #tpu.memory_space<vmem>> -> memref<128xi32, #tpu.memory_space<vmem>>
    %dma_wait3A_112 = tpu.memref_slice %arg4[%add3A_103] : memref<327680xi32, #tpu.memory_space<hbm>> -> memref<128xi32, #tpu.memory_space<hbm>>
    tpu.wait_dma2 semaphore(%arg13 : memref<!tpu.dma_semaphore, #tpu.memory_space<semaphore_mem>>) src(%dma_wait3A_112 : memref<128xi32, #tpu.memory_space<hbm>>) dst(%dma_wait3A_111 : memref<128xi32, #tpu.memory_space<vmem>>)
    %run_scoped3A_113 = arith.constant 1 : i32
    %run_scoped3A_114 = arith.constant 1 : i32
    "tpu.region"() ({
      %run_scoped3A_120 = tpu.sem_alloc : memref<!tpu.dma_semaphore, #tpu.memory_space<semaphore_mem>>
      %dma_start3A_121 = arith.constant 0 : i32
      %dma_start3A_122 = arith.constant 0 : i32
      %dma_start3A_123 = tpu.memref_slice %arg9[%run_scoped3A_113, %dma_start3A_121, %dma_start3A_122] : memref<2x128x128xf32, #tpu.memory_space<vmem>> -> memref<1x128x128xf32, #tpu.memory_space<vmem>>
      %dma_start3A_124 = tpu.memref_squeeze %dma_start3A_123 : memref<1x128x128xf32, #tpu.memory_space<vmem>> -> memref<128x128xf32, #tpu.memory_space<vmem>>
      %dma_start3A_125 = arith.constant 0 : i32
      %dma_start3A_126 = tpu.memref_slice %arg8[%run_scoped3A_114, %dma_start3A_125] : memref<2x128xi32, #tpu.memory_space<vmem>> -> memref<1x128xi32, #tpu.memory_space<vmem>>
      %dma_start3A_127 = tpu.memref_squeeze %dma_start3A_126 : memref<1x128xi32, #tpu.memory_space<vmem>> -> memref<128xi32, #tpu.memory_space<vmem>>
      %dma_start3A_128 = arith.constant 0 : i32
      %dma_start3A_129 = arith.constant 0 : i32
      %dma_start3A_130 = tpu.memref_slice %arg14[%dma_start3A_128, %dma_start3A_129] : memref<10112x128xf32, #tpu.memory_space<vmem_shared>> -> memref<10112x128xf32, #tpu.memory_space<vmem_shared>>
      tpu.enqueue_indirect_dma source(%dma_start3A_124 : memref<128x128xf32, #tpu.memory_space<vmem>>) target(%dma_start3A_130 : memref<10112x128xf32, #tpu.memory_space<vmem_shared>>) offsets(%dma_start3A_127 : memref<128xi32, #tpu.memory_space<vmem>>) semaphore(%run_scoped3A_120 : memref<!tpu.dma_semaphore, #tpu.memory_space<semaphore_mem>>) {add = true}
      %dma_wait3A_131 = arith.constant 0 : i32
      %dma_wait3A_132 = arith.constant 0 : i32
      %dma_wait3A_133 = tpu.memref_slice %arg9[%run_scoped3A_113, %dma_wait3A_131, %dma_wait3A_132] : memref<2x128x128xf32, #tpu.memory_space<vmem>> -> memref<1x128x128xf32, #tpu.memory_space<vmem>>
      %dma_wait3A_134 = tpu.memref_squeeze %dma_wait3A_133 : memref<1x128x128xf32, #tpu.memory_space<vmem>> -> memref<128x128xf32, #tpu.memory_space<vmem>>
      %dma_wait3A_135 = arith.constant 0 : i32
      %dma_wait3A_136 = tpu.memref_slice %arg8[%run_scoped3A_114, %dma_wait3A_135] : memref<2x128xi32, #tpu.memory_space<vmem>> -> memref<1x128xi32, #tpu.memory_space<vmem>>
      %dma_wait3A_137 = tpu.memref_squeeze %dma_wait3A_136 : memref<1x128xi32, #tpu.memory_space<vmem>> -> memref<128xi32, #tpu.memory_space<vmem>>
      %dma_wait3A_138 = arith.constant 0 : i32
      %dma_wait3A_139 = arith.constant 0 : i32
      %dma_wait3A_140 = tpu.memref_slice %arg14[%dma_wait3A_138, %dma_wait3A_139] : memref<10112x128xf32, #tpu.memory_space<vmem_shared>> -> memref<10112x128xf32, #tpu.memory_space<vmem_shared>>
      tpu.wait_indirect_dma semaphore(%run_scoped3A_120 : memref<!tpu.dma_semaphore, #tpu.memory_space<semaphore_mem>>) src(%dma_wait3A_134 : memref<128x128xf32, #tpu.memory_space<vmem>>) dst(%dma_wait3A_140 : memref<10112x128xf32, #tpu.memory_space<vmem_shared>>)
      tpu.yield
    }) : () -> ()
    %barrier3A_115 = arith.constant 0 : index
    tpu.barrier barrier_id(%barrier3A_115)
    %mul3A_116 = arith.constant 632 : i32
    %mul3A_117 = arith.muli %arg1, %mul3A_116 : i32
    %mul3A_118 = arith.constant 632 : i32
    %mul3A_119 = arith.muli %arg1, %mul3A_118 : i32
    "tpu.region"() ({
      %run_scoped3A_120 = tpu.sem_alloc : memref<!tpu.dma_semaphore, #tpu.memory_space<semaphore_mem>>
      %dma_start3A_121 = arith.constant 0 : i32
      %dma_start3A_122 = tpu.memref_slice %arg6[%arg0, %mul3A_119, %dma_start3A_121] : memref<2x10112x128xf32, #tpu.memory_space<hbm>> -> memref<1x632x128xf32, #tpu.memory_space<hbm>>
      %dma_start3A_123 = tpu.memref_squeeze %dma_start3A_122 : memref<1x632x128xf32, #tpu.memory_space<hbm>> -> memref<632x128xf32, #tpu.memory_space<hbm>>
      %dma_start3A_124 = arith.constant 0 : i32
      %dma_start3A_125 = tpu.memref_slice %arg14[%mul3A_117, %dma_start3A_124] : memref<10112x128xf32, #tpu.memory_space<vmem_shared>> -> memref<632x128xf32, #tpu.memory_space<vmem_shared>>
      tpu.enqueue_dma source(%dma_start3A_125 : memref<632x128xf32, #tpu.memory_space<vmem_shared>>) target(%dma_start3A_123 : memref<632x128xf32, #tpu.memory_space<hbm>>) target_semaphore(%run_scoped3A_120 : memref<!tpu.dma_semaphore, #tpu.memory_space<semaphore_mem>>)
      %dma_wait3A_126 = arith.constant 0 : i32
      %dma_wait3A_127 = tpu.memref_slice %arg6[%arg0, %mul3A_119, %dma_wait3A_126] : memref<2x10112x128xf32, #tpu.memory_space<hbm>> -> memref<1x632x128xf32, #tpu.memory_space<hbm>>
      %dma_wait3A_128 = tpu.memref_squeeze %dma_wait3A_127 : memref<1x632x128xf32, #tpu.memory_space<hbm>> -> memref<632x128xf32, #tpu.memory_space<hbm>>
      %dma_wait3A_129 = arith.constant 0 : i32
      %dma_wait3A_130 = tpu.memref_slice %arg14[%mul3A_117, %dma_wait3A_129] : memref<10112x128xf32, #tpu.memory_space<vmem_shared>> -> memref<632x128xf32, #tpu.memory_space<vmem_shared>>
      tpu.wait_dma2 semaphore(%run_scoped3A_120 : memref<!tpu.dma_semaphore, #tpu.memory_space<semaphore_mem>>) src(%dma_wait3A_130 : memref<632x128xf32, #tpu.memory_space<vmem_shared>>) dst(%dma_wait3A_128 : memref<632x128xf32, #tpu.memory_space<hbm>>)
      tpu.yield
    }) : () -> ()
    return
  }
}

#map = affine_map<(d0, d1) -> (0, 0)>
#map1 = affine_map<(d0, d1) -> (0)>
#map2 = affine_map<(d0, d1) -> (0, 0, 0)>
module attributes {stable_mosaic.version = 14 : i64} {
  func.func @_sc_scatter(%arg0: i32, %arg1: i32, %arg2: memref<10112x128xf32, #tpu.memory_space<hbm>>, %arg3: memref<2560x128xi32, #tpu.memory_space<hbm>>, %arg4: memref<327680xi32, #tpu.memory_space<hbm>>, %arg5: memref<10112x128xf32, #tpu.memory_space<hbm>>, %arg6: memref<2x10112x128xf32, #tpu.memory_space<hbm>>, %arg7: memref<80x128xi32, #tpu.memory_space<vmem>>, %arg8: memref<2x128xi32, #tpu.memory_space<vmem>>, %arg9: memref<2x128x128xf32, #tpu.memory_space<vmem>>, %arg10: memref<!tpu.dma_semaphore, #tpu.memory_space<semaphore_mem>>, %arg11: memref<!tpu.dma_semaphore, #tpu.memory_space<semaphore_mem>>, %arg12: memref<!tpu.dma_semaphore, #tpu.memory_space<semaphore_mem>>, %arg13: memref<!tpu.dma_semaphore, #tpu.memory_space<semaphore_mem>>, %arg14: memref<10112x128xf32, #tpu.memory_space<vmem_shared>>) attributes {dimension_semantics = [#tpu.dimension_semantics<core_parallel>, #tpu.dimension_semantics<subcore_parallel>], iteration_bounds = array<i64: 2, 16>, scalar_prefetch = 0 : i64, scratch_operands = 8 : i64, tpu.core_type = #tpu.core_type<sc_vector_subcore>, window_params = [{transform_indices = #map}, {transform_indices = #map}, {transform_indices = #map1}, {transform_indices = #map}, {transform_indices = #map2}]} {
    %mul3A = arith.constant 2 : i32
    %mul3A_0 = arith.muli %arg1, %mul3A : i32
    %add3A = arith.addi %mul3A_0, %arg0 : i32
    %mul3A_1 = arith.constant 80 : i32
    %mul3A_2 = arith.muli %add3A, %mul3A_1 : i32
    %mul3A_3 = arith.constant 10240 : i32
    %mul3A_4 = arith.muli %add3A, %mul3A_3 : i32
    %dma_start3A = arith.constant 0 : i32
    %dma_start3A_5 = tpu.memref_slice %arg3[%mul3A_2, %dma_start3A] : memref<2560x128xi32, #tpu.memory_space<hbm>> -> memref<80x128xi32, #tpu.memory_space<hbm>>
    %dma_start3A_6 = arith.constant 0 : i32
    %dma_start3A_7 = tpu.memref_slice %arg3[%mul3A_2, %dma_start3A_6] : memref<2560x128xi32, #tpu.memory_space<hbm>> -> memref<80x128xi32, #tpu.memory_space<hbm>>
    tpu.enqueue_dma source(%dma_start3A_7 : memref<80x128xi32, #tpu.memory_space<hbm>>) target(%arg7 : memref<80x128xi32, #tpu.memory_space<vmem>>) target_semaphore(%arg10 : memref<!tpu.dma_semaphore, #tpu.memory_space<semaphore_mem>>)
    %add3A_8 = arith.constant 0 : i32
    %add3A_9 = arith.addi %mul3A_4, %add3A_8 : i32
    %dma_start3A_10 = arith.constant 0 : i32
    %dma_start3A_11 = arith.constant 0 : i32
    %dma_start3A_12 = tpu.memref_slice %arg8[%dma_start3A_10, %dma_start3A_11] : memref<2x128xi32, #tpu.memory_space<vmem>> -> memref<1x128xi32, #tpu.memory_space<vmem>>
    %dma_start3A_13 = tpu.memref_squeeze %dma_start3A_12 : memref<1x128xi32, #tpu.memory_space<vmem>> -> memref<128xi32, #tpu.memory_space<vmem>>
    %dma_start3A_14 = tpu.memref_slice %arg4[%add3A_9] : memref<327680xi32, #tpu.memory_space<hbm>> -> memref<128xi32, #tpu.memory_space<hbm>>
    %dma_start3A_15 = arith.constant 0 : i32
    %dma_start3A_16 = tpu.memref_slice %arg8[%dma_start3A_10, %dma_start3A_15] : memref<2x128xi32, #tpu.memory_space<vmem>> -> memref<1x128xi32, #tpu.memory_space<vmem>>
    %dma_start3A_17 = tpu.memref_squeeze %dma_start3A_16 : memref<1x128xi32, #tpu.memory_space<vmem>> -> memref<128xi32, #tpu.memory_space<vmem>>
    %dma_start3A_18 = tpu.memref_slice %arg4[%add3A_9] : memref<327680xi32, #tpu.memory_space<hbm>> -> memref<128xi32, #tpu.memory_space<hbm>>
    tpu.enqueue_dma source(%dma_start3A_18 : memref<128xi32, #tpu.memory_space<hbm>>) target(%dma_start3A_17 : memref<128xi32, #tpu.memory_space<vmem>>) target_semaphore(%arg12 : memref<!tpu.dma_semaphore, #tpu.memory_space<semaphore_mem>>)
    %add3A_19 = arith.constant 128 : i32
    %add3A_20 = arith.addi %mul3A_4, %add3A_19 : i32
    %dma_start3A_21 = arith.constant 1 : i32
    %dma_start3A_22 = arith.constant 0 : i32
    %dma_start3A_23 = tpu.memref_slice %arg8[%dma_start3A_21, %dma_start3A_22] : memref<2x128xi32, #tpu.memory_space<vmem>> -> memref<1x128xi32, #tpu.memory_space<vmem>>
    %dma_start3A_24 = tpu.memref_squeeze %dma_start3A_23 : memref<1x128xi32, #tpu.memory_space<vmem>> -> memref<128xi32, #tpu.memory_space<vmem>>
    %dma_start3A_25 = tpu.memref_slice %arg4[%add3A_20] : memref<327680xi32, #tpu.memory_space<hbm>> -> memref<128xi32, #tpu.memory_space<hbm>>
    %dma_start3A_26 = arith.constant 0 : i32
    %dma_start3A_27 = tpu.memref_slice %arg8[%dma_start3A_21, %dma_start3A_26] : memref<2x128xi32, #tpu.memory_space<vmem>> -> memref<1x128xi32, #tpu.memory_space<vmem>>
    %dma_start3A_28 = tpu.memref_squeeze %dma_start3A_27 : memref<1x128xi32, #tpu.memory_space<vmem>> -> memref<128xi32, #tpu.memory_space<vmem>>
    %dma_start3A_29 = tpu.memref_slice %arg4[%add3A_20] : memref<327680xi32, #tpu.memory_space<hbm>> -> memref<128xi32, #tpu.memory_space<hbm>>
    tpu.enqueue_dma source(%dma_start3A_29 : memref<128xi32, #tpu.memory_space<hbm>>) target(%dma_start3A_28 : memref<128xi32, #tpu.memory_space<vmem>>) target_semaphore(%arg13 : memref<!tpu.dma_semaphore, #tpu.memory_space<semaphore_mem>>)
    %mul3A_30 = arith.constant 632 : i32
    %mul3A_31 = arith.muli %arg1, %mul3A_30 : i32
    %mul3A_32 = arith.constant 632 : i32
    %mul3A_33 = arith.muli %arg1, %mul3A_32 : i32
    "tpu.region"() ({
      %run_scoped3A_120 = tpu.sem_alloc : memref<!tpu.dma_semaphore, #tpu.memory_space<semaphore_mem>>
      %dma_start3A_121 = arith.constant 0 : i32
      %dma_start3A_122 = tpu.memref_slice %arg14[%mul3A_33, %dma_start3A_121] : memref<10112x128xf32, #tpu.memory_space<vmem_shared>> -> memref<632x128xf32, #tpu.memory_space<vmem_shared>>
      %dma_start3A_123 = arith.constant 0 : i32
      %dma_start3A_124 = tpu.memref_slice %arg5[%mul3A_31, %dma_start3A_123] : memref<10112x128xf32, #tpu.memory_space<hbm>> -> memref<632x128xf32, #tpu.memory_space<hbm>>
      tpu.enqueue_dma source(%dma_start3A_124 : memref<632x128xf32, #tpu.memory_space<hbm>>) target(%dma_start3A_122 : memref<632x128xf32, #tpu.memory_space<vmem_shared>>) target_semaphore(%run_scoped3A_120 : memref<!tpu.dma_semaphore, #tpu.memory_space<semaphore_mem>>)
      %dma_wait3A_125 = arith.constant 0 : i32
      %dma_wait3A_126 = tpu.memref_slice %arg14[%mul3A_33, %dma_wait3A_125] : memref<10112x128xf32, #tpu.memory_space<vmem_shared>> -> memref<632x128xf32, #tpu.memory_space<vmem_shared>>
      %dma_wait3A_127 = arith.constant 0 : i32
      %dma_wait3A_128 = tpu.memref_slice %arg5[%mul3A_31, %dma_wait3A_127] : memref<10112x128xf32, #tpu.memory_space<hbm>> -> memref<632x128xf32, #tpu.memory_space<hbm>>
      tpu.wait_dma2 semaphore(%run_scoped3A_120 : memref<!tpu.dma_semaphore, #tpu.memory_space<semaphore_mem>>) src(%dma_wait3A_128 : memref<632x128xf32, #tpu.memory_space<hbm>>) dst(%dma_wait3A_126 : memref<632x128xf32, #tpu.memory_space<vmem_shared>>)
      tpu.yield
    }) : () -> ()
    %dma_wait3A = arith.constant 0 : i32
    %dma_wait3A_34 = tpu.memref_slice %arg3[%mul3A_2, %dma_wait3A] : memref<2560x128xi32, #tpu.memory_space<hbm>> -> memref<80x128xi32, #tpu.memory_space<hbm>>
    %dma_wait3A_35 = arith.constant 0 : i32
    %dma_wait3A_36 = tpu.memref_slice %arg3[%mul3A_2, %dma_wait3A_35] : memref<2560x128xi32, #tpu.memory_space<hbm>> -> memref<80x128xi32, #tpu.memory_space<hbm>>
    tpu.wait_dma2 semaphore(%arg10 : memref<!tpu.dma_semaphore, #tpu.memory_space<semaphore_mem>>) src(%dma_wait3A_36 : memref<80x128xi32, #tpu.memory_space<hbm>>) dst(%arg7 : memref<80x128xi32, #tpu.memory_space<vmem>>)
    %barrier3A = arith.constant 0 : index
    tpu.barrier barrier_id(%barrier3A)
    %dma_start3A_37 = arith.constant 0 : i32
    %dma_start3A_38 = arith.constant 0 : i32
    %dma_start3A_39 = arith.constant 0 : i32
    %dma_start3A_40 = arith.constant 0 : i32
    %dma_start3A_41 = tpu.memref_slice %arg9[%dma_start3A_38, %dma_start3A_39, %dma_start3A_40] : memref<2x128x128xf32, #tpu.memory_space<vmem>> -> memref<1x128x128xf32, #tpu.memory_space<vmem>>
    %dma_start3A_42 = tpu.memref_squeeze %dma_start3A_41 : memref<1x128x128xf32, #tpu.memory_space<vmem>> -> memref<128x128xf32, #tpu.memory_space<vmem>>
    %dma_start3A_43 = arith.constant 0 : i32
    %dma_start3A_44 = tpu.memref_slice %arg7[%dma_start3A_37, %dma_start3A_43] : memref<80x128xi32, #tpu.memory_space<vmem>> -> memref<1x128xi32, #tpu.memory_space<vmem>>
    %dma_start3A_45 = tpu.memref_squeeze %dma_start3A_44 : memref<1x128xi32, #tpu.memory_space<vmem>> -> memref<128xi32, #tpu.memory_space<vmem>>
    %dma_start3A_46 = arith.constant 0 : i32
    %dma_start3A_47 = arith.constant 0 : i32
    %dma_start3A_48 = tpu.memref_slice %arg2[%dma_start3A_46, %dma_start3A_47] : memref<10112x128xf32, #tpu.memory_space<hbm>> -> memref<10112x128xf32, #tpu.memory_space<hbm>>
    tpu.enqueue_indirect_dma source(%dma_start3A_48 : memref<10112x128xf32, #tpu.memory_space<hbm>>) target(%dma_start3A_42 : memref<128x128xf32, #tpu.memory_space<vmem>>) offsets(%dma_start3A_45 : memref<128xi32, #tpu.memory_space<vmem>>) semaphore(%arg10 : memref<!tpu.dma_semaphore, #tpu.memory_space<semaphore_mem>>)
    %scan3A = arith.constant 0 : i32
    %scan3A_49 = arith.constant 0 : i32
    %scan3A_50 = arith.constant 39 : i32
    %scan3A_51 = arith.addi %scan3A_49, %scan3A_50 : i32
    %scan3A_52 = arith.constant 1 : i32
    scf.for %scan3A_120 = %scan3A_49 to %scan3A_51 step %scan3A_52  : i32 {
      %mul3A_121 = arith.constant 2 : i32
      %mul3A_122 = arith.muli %scan3A_120, %mul3A_121 : i32
      %add3A_123 = arith.constant 0 : i32
      %add3A_124 = arith.addi %mul3A_122, %add3A_123 : i32
      %dma_wait3A_125 = arith.constant 0 : i32
      %dma_wait3A_126 = arith.constant 0 : i32
      %dma_wait3A_127 = arith.constant 0 : i32
      %dma_wait3A_128 = tpu.memref_slice %arg9[%dma_wait3A_125, %dma_wait3A_126, %dma_wait3A_127] : memref<2x128x128xf32, #tpu.memory_space<vmem>> -> memref<1x128x128xf32, #tpu.memory_space<vmem>>
      %dma_wait3A_129 = tpu.memref_squeeze %dma_wait3A_128 : memref<1x128x128xf32, #tpu.memory_space<vmem>> -> memref<128x128xf32, #tpu.memory_space<vmem>>
      %dma_wait3A_130 = arith.constant 0 : i32
      %dma_wait3A_131 = tpu.memref_slice %arg7[%add3A_124, %dma_wait3A_130] : memref<80x128xi32, #tpu.memory_space<vmem>> -> memref<1x128xi32, #tpu.memory_space<vmem>>
      %dma_wait3A_132 = tpu.memref_squeeze %dma_wait3A_131 : memref<1x128xi32, #tpu.memory_space<vmem>> -> memref<128xi32, #tpu.memory_space<vmem>>
      %dma_wait3A_133 = arith.constant 0 : i32
      %dma_wait3A_134 = arith.constant 0 : i32
      %dma_wait3A_135 = tpu.memref_slice %arg2[%dma_wait3A_133, %dma_wait3A_134] : memref<10112x128xf32, #tpu.memory_space<hbm>> -> memref<10112x128xf32, #tpu.memory_space<hbm>>
      tpu.wait_indirect_dma semaphore(%arg10 : memref<!tpu.dma_semaphore, #tpu.memory_space<semaphore_mem>>) src(%dma_wait3A_135 : memref<10112x128xf32, #tpu.memory_space<hbm>>) dst(%dma_wait3A_129 : memref<128x128xf32, #tpu.memory_space<vmem>>)
      %add3A_136 = arith.constant 1 : i32
      %add3A_137 = arith.addi %add3A_124, %add3A_136 : i32
      %dma_start3A_138 = arith.constant 1 : i32
      %dma_start3A_139 = arith.constant 0 : i32
      %dma_start3A_140 = arith.constant 0 : i32
      %dma_start3A_141 = tpu.memref_slice %arg9[%dma_start3A_138, %dma_start3A_139, %dma_start3A_140] : memref<2x128x128xf32, #tpu.memory_space<vmem>> -> memref<1x128x128xf32, #tpu.memory_space<vmem>>
      %dma_start3A_142 = tpu.memref_squeeze %dma_start3A_141 : memref<1x128x128xf32, #tpu.memory_space<vmem>> -> memref<128x128xf32, #tpu.memory_space<vmem>>
      %dma_start3A_143 = arith.constant 0 : i32
      %dma_start3A_144 = tpu.memref_slice %arg7[%add3A_137, %dma_start3A_143] : memref<80x128xi32, #tpu.memory_space<vmem>> -> memref<1x128xi32, #tpu.memory_space<vmem>>
      %dma_start3A_145 = tpu.memref_squeeze %dma_start3A_144 : memref<1x128xi32, #tpu.memory_space<vmem>> -> memref<128xi32, #tpu.memory_space<vmem>>
      %dma_start3A_146 = arith.constant 0 : i32
      %dma_start3A_147 = arith.constant 0 : i32
      %dma_start3A_148 = tpu.memref_slice %arg2[%dma_start3A_146, %dma_start3A_147] : memref<10112x128xf32, #tpu.memory_space<hbm>> -> memref<10112x128xf32, #tpu.memory_space<hbm>>
      tpu.enqueue_indirect_dma source(%dma_start3A_148 : memref<10112x128xf32, #tpu.memory_space<hbm>>) target(%dma_start3A_142 : memref<128x128xf32, #tpu.memory_space<vmem>>) offsets(%dma_start3A_145 : memref<128xi32, #tpu.memory_space<vmem>>) semaphore(%arg11 : memref<!tpu.dma_semaphore, #tpu.memory_space<semaphore_mem>>)
      %mul3A_149 = arith.constant 128 : i32
      %mul3A_150 = arith.muli %add3A_124, %mul3A_149 : i32
      %add3A_151 = arith.addi %mul3A_4, %mul3A_150 : i32
      %dma_wait3A_152 = arith.constant 0 : i32
      %dma_wait3A_153 = arith.constant 0 : i32
      %dma_wait3A_154 = tpu.memref_slice %arg8[%dma_wait3A_152, %dma_wait3A_153] : memref<2x128xi32, #tpu.memory_space<vmem>> -> memref<1x128xi32, #tpu.memory_space<vmem>>
      %dma_wait3A_155 = tpu.memref_squeeze %dma_wait3A_154 : memref<1x128xi32, #tpu.memory_space<vmem>> -> memref<128xi32, #tpu.memory_space<vmem>>
      %dma_wait3A_156 = tpu.memref_slice %arg4[%add3A_151] : memref<327680xi32, #tpu.memory_space<hbm>> -> memref<128xi32, #tpu.memory_space<hbm>>
      %dma_wait3A_157 = arith.constant 0 : i32
      %dma_wait3A_158 = tpu.memref_slice %arg8[%dma_wait3A_152, %dma_wait3A_157] : memref<2x128xi32, #tpu.memory_space<vmem>> -> memref<1x128xi32, #tpu.memory_space<vmem>>
      %dma_wait3A_159 = tpu.memref_squeeze %dma_wait3A_158 : memref<1x128xi32, #tpu.memory_space<vmem>> -> memref<128xi32, #tpu.memory_space<vmem>>
      %dma_wait3A_160 = tpu.memref_slice %arg4[%add3A_151] : memref<327680xi32, #tpu.memory_space<hbm>> -> memref<128xi32, #tpu.memory_space<hbm>>
      tpu.wait_dma2 semaphore(%arg12 : memref<!tpu.dma_semaphore, #tpu.memory_space<semaphore_mem>>) src(%dma_wait3A_160 : memref<128xi32, #tpu.memory_space<hbm>>) dst(%dma_wait3A_159 : memref<128xi32, #tpu.memory_space<vmem>>)
      %run_scoped3A_161 = arith.constant 0 : i32
      %run_scoped3A_162 = arith.constant 0 : i32
      "tpu.region"() ({
        %run_scoped3A_233 = tpu.sem_alloc : memref<!tpu.dma_semaphore, #tpu.memory_space<semaphore_mem>>
        %dma_start3A_234 = arith.constant 0 : i32
        %dma_start3A_235 = arith.constant 0 : i32
        %dma_start3A_236 = tpu.memref_slice %arg9[%run_scoped3A_161, %dma_start3A_234, %dma_start3A_235] : memref<2x128x128xf32, #tpu.memory_space<vmem>> -> memref<1x128x128xf32, #tpu.memory_space<vmem>>
        %dma_start3A_237 = tpu.memref_squeeze %dma_start3A_236 : memref<1x128x128xf32, #tpu.memory_space<vmem>> -> memref<128x128xf32, #tpu.memory_space<vmem>>
        %dma_start3A_238 = arith.constant 0 : i32
        %dma_start3A_239 = tpu.memref_slice %arg8[%run_scoped3A_162, %dma_start3A_238] : memref<2x128xi32, #tpu.memory_space<vmem>> -> memref<1x128xi32, #tpu.memory_space<vmem>>
        %dma_start3A_240 = tpu.memref_squeeze %dma_start3A_239 : memref<1x128xi32, #tpu.memory_space<vmem>> -> memref<128xi32, #tpu.memory_space<vmem>>
        %dma_start3A_241 = arith.constant 0 : i32
        %dma_start3A_242 = arith.constant 0 : i32
        %dma_start3A_243 = tpu.memref_slice %arg14[%dma_start3A_241, %dma_start3A_242] : memref<10112x128xf32, #tpu.memory_space<vmem_shared>> -> memref<10112x128xf32, #tpu.memory_space<vmem_shared>>
        tpu.enqueue_indirect_dma source(%dma_start3A_237 : memref<128x128xf32, #tpu.memory_space<vmem>>) target(%dma_start3A_243 : memref<10112x128xf32, #tpu.memory_space<vmem_shared>>) offsets(%dma_start3A_240 : memref<128xi32, #tpu.memory_space<vmem>>) semaphore(%run_scoped3A_233 : memref<!tpu.dma_semaphore, #tpu.memory_space<semaphore_mem>>) {add = true}
        %dma_wait3A_244 = arith.constant 0 : i32
        %dma_wait3A_245 = arith.constant 0 : i32
        %dma_wait3A_246 = tpu.memref_slice %arg9[%run_scoped3A_161, %dma_wait3A_244, %dma_wait3A_245] : memref<2x128x128xf32, #tpu.memory_space<vmem>> -> memref<1x128x128xf32, #tpu.memory_space<vmem>>
        %dma_wait3A_247 = tpu.memref_squeeze %dma_wait3A_246 : memref<1x128x128xf32, #tpu.memory_space<vmem>> -> memref<128x128xf32, #tpu.memory_space<vmem>>
        %dma_wait3A_248 = arith.constant 0 : i32
        %dma_wait3A_249 = tpu.memref_slice %arg8[%run_scoped3A_162, %dma_wait3A_248] : memref<2x128xi32, #tpu.memory_space<vmem>> -> memref<1x128xi32, #tpu.memory_space<vmem>>
        %dma_wait3A_250 = tpu.memref_squeeze %dma_wait3A_249 : memref<1x128xi32, #tpu.memory_space<vmem>> -> memref<128xi32, #tpu.memory_space<vmem>>
        %dma_wait3A_251 = arith.constant 0 : i32
        %dma_wait3A_252 = arith.constant 0 : i32
        %dma_wait3A_253 = tpu.memref_slice %arg14[%dma_wait3A_251, %dma_wait3A_252] : memref<10112x128xf32, #tpu.memory_space<vmem_shared>> -> memref<10112x128xf32, #tpu.memory_space<vmem_shared>>
        tpu.wait_indirect_dma semaphore(%run_scoped3A_233 : memref<!tpu.dma_semaphore, #tpu.memory_space<semaphore_mem>>) src(%dma_wait3A_247 : memref<128x128xf32, #tpu.memory_space<vmem>>) dst(%dma_wait3A_253 : memref<10112x128xf32, #tpu.memory_space<vmem_shared>>)
        tpu.yield
      }) : () -> ()
      %add3A_163 = arith.constant 2 : i32
      %add3A_164 = arith.addi %add3A_124, %add3A_163 : i32
      %mul3A_165 = arith.constant 128 : i32
      %mul3A_166 = arith.muli %add3A_164, %mul3A_165 : i32
      %add3A_167 = arith.addi %mul3A_4, %mul3A_166 : i32
      %dma_start3A_168 = arith.constant 0 : i32
      %dma_start3A_169 = arith.constant 0 : i32
      %dma_start3A_170 = tpu.memref_slice %arg8[%dma_start3A_168, %dma_start3A_169] : memref<2x128xi32, #tpu.memory_space<vmem>> -> memref<1x128xi32, #tpu.memory_space<vmem>>
      %dma_start3A_171 = tpu.memref_squeeze %dma_start3A_170 : memref<1x128xi32, #tpu.memory_space<vmem>> -> memref<128xi32, #tpu.memory_space<vmem>>
      %dma_start3A_172 = tpu.memref_slice %arg4[%add3A_167] : memref<327680xi32, #tpu.memory_space<hbm>> -> memref<128xi32, #tpu.memory_space<hbm>>
      %dma_start3A_173 = arith.constant 0 : i32
      %dma_start3A_174 = tpu.memref_slice %arg8[%dma_start3A_168, %dma_start3A_173] : memref<2x128xi32, #tpu.memory_space<vmem>> -> memref<1x128xi32, #tpu.memory_space<vmem>>
      %dma_start3A_175 = tpu.memref_squeeze %dma_start3A_174 : memref<1x128xi32, #tpu.memory_space<vmem>> -> memref<128xi32, #tpu.memory_space<vmem>>
      %dma_start3A_176 = tpu.memref_slice %arg4[%add3A_167] : memref<327680xi32, #tpu.memory_space<hbm>> -> memref<128xi32, #tpu.memory_space<hbm>>
      tpu.enqueue_dma source(%dma_start3A_176 : memref<128xi32, #tpu.memory_space<hbm>>) target(%dma_start3A_175 : memref<128xi32, #tpu.memory_space<vmem>>) target_semaphore(%arg12 : memref<!tpu.dma_semaphore, #tpu.memory_space<semaphore_mem>>)
      %mul3A_177 = arith.constant 2 : i32
      %mul3A_178 = arith.muli %scan3A_120, %mul3A_177 : i32
      %add3A_179 = arith.constant 1 : i32
      %add3A_180 = arith.addi %mul3A_178, %add3A_179 : i32
      %dma_wait3A_181 = arith.constant 1 : i32
      %dma_wait3A_182 = arith.constant 0 : i32
      %dma_wait3A_183 = arith.constant 0 : i32
      %dma_wait3A_184 = tpu.memref_slice %arg9[%dma_wait3A_181, %dma_wait3A_182, %dma_wait3A_183] : memref<2x128x128xf32, #tpu.memory_space<vmem>> -> memref<1x128x128xf32, #tpu.memory_space<vmem>>
      %dma_wait3A_185 = tpu.memref_squeeze %dma_wait3A_184 : memref<1x128x128xf32, #tpu.memory_space<vmem>> -> memref<128x128xf32, #tpu.memory_space<vmem>>
      %dma_wait3A_186 = arith.constant 0 : i32
      %dma_wait3A_187 = tpu.memref_slice %arg7[%add3A_180, %dma_wait3A_186] : memref<80x128xi32, #tpu.memory_space<vmem>> -> memref<1x128xi32, #tpu.memory_space<vmem>>
      %dma_wait3A_188 = tpu.memref_squeeze %dma_wait3A_187 : memref<1x128xi32, #tpu.memory_space<vmem>> -> memref<128xi32, #tpu.memory_space<vmem>>
      %dma_wait3A_189 = arith.constant 0 : i32
      %dma_wait3A_190 = arith.constant 0 : i32
      %dma_wait3A_191 = tpu.memref_slice %arg2[%dma_wait3A_189, %dma_wait3A_190] : memref<10112x128xf32, #tpu.memory_space<hbm>> -> memref<10112x128xf32, #tpu.memory_space<hbm>>
      tpu.wait_indirect_dma semaphore(%arg11 : memref<!tpu.dma_semaphore, #tpu.memory_space<semaphore_mem>>) src(%dma_wait3A_191 : memref<10112x128xf32, #tpu.memory_space<hbm>>) dst(%dma_wait3A_185 : memref<128x128xf32, #tpu.memory_space<vmem>>)
      %add3A_192 = arith.constant 1 : i32
      %add3A_193 = arith.addi %add3A_180, %add3A_192 : i32
      %dma_start3A_194 = arith.constant 0 : i32
      %dma_start3A_195 = arith.constant 0 : i32
      %dma_start3A_196 = arith.constant 0 : i32
      %dma_start3A_197 = tpu.memref_slice %arg9[%dma_start3A_194, %dma_start3A_195, %dma_start3A_196] : memref<2x128x128xf32, #tpu.memory_space<vmem>> -> memref<1x128x128xf32, #tpu.memory_space<vmem>>
      %dma_start3A_198 = tpu.memref_squeeze %dma_start3A_197 : memref<1x128x128xf32, #tpu.memory_space<vmem>> -> memref<128x128xf32, #tpu.memory_space<vmem>>
      %dma_start3A_199 = arith.constant 0 : i32
      %dma_start3A_200 = tpu.memref_slice %arg7[%add3A_193, %dma_start3A_199] : memref<80x128xi32, #tpu.memory_space<vmem>> -> memref<1x128xi32, #tpu.memory_space<vmem>>
      %dma_start3A_201 = tpu.memref_squeeze %dma_start3A_200 : memref<1x128xi32, #tpu.memory_space<vmem>> -> memref<128xi32, #tpu.memory_space<vmem>>
      %dma_start3A_202 = arith.constant 0 : i32
      %dma_start3A_203 = arith.constant 0 : i32
      %dma_start3A_204 = tpu.memref_slice %arg2[%dma_start3A_202, %dma_start3A_203] : memref<10112x128xf32, #tpu.memory_space<hbm>> -> memref<10112x128xf32, #tpu.memory_space<hbm>>
      tpu.enqueue_indirect_dma source(%dma_start3A_204 : memref<10112x128xf32, #tpu.memory_space<hbm>>) target(%dma_start3A_198 : memref<128x128xf32, #tpu.memory_space<vmem>>) offsets(%dma_start3A_201 : memref<128xi32, #tpu.memory_space<vmem>>) semaphore(%arg10 : memref<!tpu.dma_semaphore, #tpu.memory_space<semaphore_mem>>)
      %mul3A_205 = arith.constant 128 : i32
      %mul3A_206 = arith.muli %add3A_180, %mul3A_205 : i32
      %add3A_207 = arith.addi %mul3A_4, %mul3A_206 : i32
      %dma_wait3A_208 = arith.constant 1 : i32
      %dma_wait3A_209 = arith.constant 0 : i32
      %dma_wait3A_210 = tpu.memref_slice %arg8[%dma_wait3A_208, %dma_wait3A_209] : memref<2x128xi32, #tpu.memory_space<vmem>> -> memref<1x128xi32, #tpu.memory_space<vmem>>
      %dma_wait3A_211 = tpu.memref_squeeze %dma_wait3A_210 : memref<1x128xi32, #tpu.memory_space<vmem>> -> memref<128xi32, #tpu.memory_space<vmem>>
      %dma_wait3A_212 = tpu.memref_slice %arg4[%add3A_207] : memref<327680xi32, #tpu.memory_space<hbm>> -> memref<128xi32, #tpu.memory_space<hbm>>
      %dma_wait3A_213 = arith.constant 0 : i32
      %dma_wait3A_214 = tpu.memref_slice %arg8[%dma_wait3A_208, %dma_wait3A_213] : memref<2x128xi32, #tpu.memory_space<vmem>> -> memref<1x128xi32, #tpu.memory_space<vmem>>
      %dma_wait3A_215 = tpu.memref_squeeze %dma_wait3A_214 : memref<1x128xi32, #tpu.memory_space<vmem>> -> memref<128xi32, #tpu.memory_space<vmem>>
      %dma_wait3A_216 = tpu.memref_slice %arg4[%add3A_207] : memref<327680xi32, #tpu.memory_space<hbm>> -> memref<128xi32, #tpu.memory_space<hbm>>
      tpu.wait_dma2 semaphore(%arg13 : memref<!tpu.dma_semaphore, #tpu.memory_space<semaphore_mem>>) src(%dma_wait3A_216 : memref<128xi32, #tpu.memory_space<hbm>>) dst(%dma_wait3A_215 : memref<128xi32, #tpu.memory_space<vmem>>)
      %run_scoped3A_217 = arith.constant 1 : i32
      %run_scoped3A_218 = arith.constant 1 : i32
      "tpu.region"() ({
        %run_scoped3A_233 = tpu.sem_alloc : memref<!tpu.dma_semaphore, #tpu.memory_space<semaphore_mem>>
        %dma_start3A_234 = arith.constant 0 : i32
        %dma_start3A_235 = arith.constant 0 : i32
        %dma_start3A_236 = tpu.memref_slice %arg9[%run_scoped3A_217, %dma_start3A_234, %dma_start3A_235] : memref<2x128x128xf32, #tpu.memory_space<vmem>> -> memref<1x128x128xf32, #tpu.memory_space<vmem>>
        %dma_start3A_237 = tpu.memref_squeeze %dma_start3A_236 : memref<1x128x128xf32, #tpu.memory_space<vmem>> -> memref<128x128xf32, #tpu.memory_space<vmem>>
        %dma_start3A_238 = arith.constant 0 : i32
        %dma_start3A_239 = tpu.memref_slice %arg8[%run_scoped3A_218, %dma_start3A_238] : memref<2x128xi32, #tpu.memory_space<vmem>> -> memref<1x128xi32, #tpu.memory_space<vmem>>
        %dma_start3A_240 = tpu.memref_squeeze %dma_start3A_239 : memref<1x128xi32, #tpu.memory_space<vmem>> -> memref<128xi32, #tpu.memory_space<vmem>>
        %dma_start3A_241 = arith.constant 0 : i32
        %dma_start3A_242 = arith.constant 0 : i32
        %dma_start3A_243 = tpu.memref_slice %arg14[%dma_start3A_241, %dma_start3A_242] : memref<10112x128xf32, #tpu.memory_space<vmem_shared>> -> memref<10112x128xf32, #tpu.memory_space<vmem_shared>>
        tpu.enqueue_indirect_dma source(%dma_start3A_237 : memref<128x128xf32, #tpu.memory_space<vmem>>) target(%dma_start3A_243 : memref<10112x128xf32, #tpu.memory_space<vmem_shared>>) offsets(%dma_start3A_240 : memref<128xi32, #tpu.memory_space<vmem>>) semaphore(%run_scoped3A_233 : memref<!tpu.dma_semaphore, #tpu.memory_space<semaphore_mem>>) {add = true}
        %dma_wait3A_244 = arith.constant 0 : i32
        %dma_wait3A_245 = arith.constant 0 : i32
        %dma_wait3A_246 = tpu.memref_slice %arg9[%run_scoped3A_217, %dma_wait3A_244, %dma_wait3A_245] : memref<2x128x128xf32, #tpu.memory_space<vmem>> -> memref<1x128x128xf32, #tpu.memory_space<vmem>>
        %dma_wait3A_247 = tpu.memref_squeeze %dma_wait3A_246 : memref<1x128x128xf32, #tpu.memory_space<vmem>> -> memref<128x128xf32, #tpu.memory_space<vmem>>
        %dma_wait3A_248 = arith.constant 0 : i32
        %dma_wait3A_249 = tpu.memref_slice %arg8[%run_scoped3A_218, %dma_wait3A_248] : memref<2x128xi32, #tpu.memory_space<vmem>> -> memref<1x128xi32, #tpu.memory_space<vmem>>
        %dma_wait3A_250 = tpu.memref_squeeze %dma_wait3A_249 : memref<1x128xi32, #tpu.memory_space<vmem>> -> memref<128xi32, #tpu.memory_space<vmem>>
        %dma_wait3A_251 = arith.constant 0 : i32
        %dma_wait3A_252 = arith.constant 0 : i32
        %dma_wait3A_253 = tpu.memref_slice %arg14[%dma_wait3A_251, %dma_wait3A_252] : memref<10112x128xf32, #tpu.memory_space<vmem_shared>> -> memref<10112x128xf32, #tpu.memory_space<vmem_shared>>
        tpu.wait_indirect_dma semaphore(%run_scoped3A_233 : memref<!tpu.dma_semaphore, #tpu.memory_space<semaphore_mem>>) src(%dma_wait3A_247 : memref<128x128xf32, #tpu.memory_space<vmem>>) dst(%dma_wait3A_253 : memref<10112x128xf32, #tpu.memory_space<vmem_shared>>)
        tpu.yield
      }) : () -> ()
      %add3A_219 = arith.constant 2 : i32
      %add3A_220 = arith.addi %add3A_180, %add3A_219 : i32
      %mul3A_221 = arith.constant 128 : i32
      %mul3A_222 = arith.muli %add3A_220, %mul3A_221 : i32
      %add3A_223 = arith.addi %mul3A_4, %mul3A_222 : i32
      %dma_start3A_224 = arith.constant 1 : i32
      %dma_start3A_225 = arith.constant 0 : i32
      %dma_start3A_226 = tpu.memref_slice %arg8[%dma_start3A_224, %dma_start3A_225] : memref<2x128xi32, #tpu.memory_space<vmem>> -> memref<1x128xi32, #tpu.memory_space<vmem>>
      %dma_start3A_227 = tpu.memref_squeeze %dma_start3A_226 : memref<1x128xi32, #tpu.memory_space<vmem>> -> memref<128xi32, #tpu.memory_space<vmem>>
      %dma_start3A_228 = tpu.memref_slice %arg4[%add3A_223] : memref<327680xi32, #tpu.memory_space<hbm>> -> memref<128xi32, #tpu.memory_space<hbm>>
      %dma_start3A_229 = arith.constant 0 : i32
      %dma_start3A_230 = tpu.memref_slice %arg8[%dma_start3A_224, %dma_start3A_229] : memref<2x128xi32, #tpu.memory_space<vmem>> -> memref<1x128xi32, #tpu.memory_space<vmem>>
      %dma_start3A_231 = tpu.memref_squeeze %dma_start3A_230 : memref<1x128xi32, #tpu.memory_space<vmem>> -> memref<128xi32, #tpu.memory_space<vmem>>
      %dma_start3A_232 = tpu.memref_slice %arg4[%add3A_223] : memref<327680xi32, #tpu.memory_space<hbm>> -> memref<128xi32, #tpu.memory_space<hbm>>
      tpu.enqueue_dma source(%dma_start3A_232 : memref<128xi32, #tpu.memory_space<hbm>>) target(%dma_start3A_231 : memref<128xi32, #tpu.memory_space<vmem>>) target_semaphore(%arg13 : memref<!tpu.dma_semaphore, #tpu.memory_space<semaphore_mem>>)
    }
    %scan3A_53 = arith.constant 39 : i32
    %dma_wait3A_54 = arith.constant 78 : i32
    %dma_wait3A_55 = arith.constant 0 : i32
    %dma_wait3A_56 = arith.constant 0 : i32
    %dma_wait3A_57 = arith.constant 0 : i32
    %dma_wait3A_58 = tpu.memref_slice %arg9[%dma_wait3A_55, %dma_wait3A_56, %dma_wait3A_57] : memref<2x128x128xf32, #tpu.memory_space<vmem>> -> memref<1x128x128xf32, #tpu.memory_space<vmem>>
    %dma_wait3A_59 = tpu.memref_squeeze %dma_wait3A_58 : memref<1x128x128xf32, #tpu.memory_space<vmem>> -> memref<128x128xf32, #tpu.memory_space<vmem>>
    %dma_wait3A_60 = arith.constant 0 : i32
    %dma_wait3A_61 = tpu.memref_slice %arg7[%dma_wait3A_54, %dma_wait3A_60] : memref<80x128xi32, #tpu.memory_space<vmem>> -> memref<1x128xi32, #tpu.memory_space<vmem>>
    %dma_wait3A_62 = tpu.memref_squeeze %dma_wait3A_61 : memref<1x128xi32, #tpu.memory_space<vmem>> -> memref<128xi32, #tpu.memory_space<vmem>>
    %dma_wait3A_63 = arith.constant 0 : i32
    %dma_wait3A_64 = arith.constant 0 : i32
    %dma_wait3A_65 = tpu.memref_slice %arg2[%dma_wait3A_63, %dma_wait3A_64] : memref<10112x128xf32, #tpu.memory_space<hbm>> -> memref<10112x128xf32, #tpu.memory_space<hbm>>
    tpu.wait_indirect_dma semaphore(%arg10 : memref<!tpu.dma_semaphore, #tpu.memory_space<semaphore_mem>>) src(%dma_wait3A_65 : memref<10112x128xf32, #tpu.memory_space<hbm>>) dst(%dma_wait3A_59 : memref<128x128xf32, #tpu.memory_space<vmem>>)
    %dma_start3A_66 = arith.constant 79 : i32
    %dma_start3A_67 = arith.constant 1 : i32
    %dma_start3A_68 = arith.constant 0 : i32
    %dma_start3A_69 = arith.constant 0 : i32
    %dma_start3A_70 = tpu.memref_slice %arg9[%dma_start3A_67, %dma_start3A_68, %dma_start3A_69] : memref<2x128x128xf32, #tpu.memory_space<vmem>> -> memref<1x128x128xf32, #tpu.memory_space<vmem>>
    %dma_start3A_71 = tpu.memref_squeeze %dma_start3A_70 : memref<1x128x128xf32, #tpu.memory_space<vmem>> -> memref<128x128xf32, #tpu.memory_space<vmem>>
    %dma_start3A_72 = arith.constant 0 : i32
    %dma_start3A_73 = tpu.memref_slice %arg7[%dma_start3A_66, %dma_start3A_72] : memref<80x128xi32, #tpu.memory_space<vmem>> -> memref<1x128xi32, #tpu.memory_space<vmem>>
    %dma_start3A_74 = tpu.memref_squeeze %dma_start3A_73 : memref<1x128xi32, #tpu.memory_space<vmem>> -> memref<128xi32, #tpu.memory_space<vmem>>
    %dma_start3A_75 = arith.constant 0 : i32
    %dma_start3A_76 = arith.constant 0 : i32
    %dma_start3A_77 = tpu.memref_slice %arg2[%dma_start3A_75, %dma_start3A_76] : memref<10112x128xf32, #tpu.memory_space<hbm>> -> memref<10112x128xf32, #tpu.memory_space<hbm>>
    tpu.enqueue_indirect_dma source(%dma_start3A_77 : memref<10112x128xf32, #tpu.memory_space<hbm>>) target(%dma_start3A_71 : memref<128x128xf32, #tpu.memory_space<vmem>>) offsets(%dma_start3A_74 : memref<128xi32, #tpu.memory_space<vmem>>) semaphore(%arg11 : memref<!tpu.dma_semaphore, #tpu.memory_space<semaphore_mem>>)
    %add3A_78 = arith.constant 9984 : i32
    %add3A_79 = arith.addi %mul3A_4, %add3A_78 : i32
    %dma_wait3A_80 = arith.constant 0 : i32
    %dma_wait3A_81 = arith.constant 0 : i32
    %dma_wait3A_82 = tpu.memref_slice %arg8[%dma_wait3A_80, %dma_wait3A_81] : memref<2x128xi32, #tpu.memory_space<vmem>> -> memref<1x128xi32, #tpu.memory_space<vmem>>
    %dma_wait3A_83 = tpu.memref_squeeze %dma_wait3A_82 : memref<1x128xi32, #tpu.memory_space<vmem>> -> memref<128xi32, #tpu.memory_space<vmem>>
    %dma_wait3A_84 = tpu.memref_slice %arg4[%add3A_79] : memref<327680xi32, #tpu.memory_space<hbm>> -> memref<128xi32, #tpu.memory_space<hbm>>
    %dma_wait3A_85 = arith.constant 0 : i32
    %dma_wait3A_86 = tpu.memref_slice %arg8[%dma_wait3A_80, %dma_wait3A_85] : memref<2x128xi32, #tpu.memory_space<vmem>> -> memref<1x128xi32, #tpu.memory_space<vmem>>
    %dma_wait3A_87 = tpu.memref_squeeze %dma_wait3A_86 : memref<1x128xi32, #tpu.memory_space<vmem>> -> memref<128xi32, #tpu.memory_space<vmem>>
    %dma_wait3A_88 = tpu.memref_slice %arg4[%add3A_79] : memref<327680xi32, #tpu.memory_space<hbm>> -> memref<128xi32, #tpu.memory_space<hbm>>
    tpu.wait_dma2 semaphore(%arg12 : memref<!tpu.dma_semaphore, #tpu.memory_space<semaphore_mem>>) src(%dma_wait3A_88 : memref<128xi32, #tpu.memory_space<hbm>>) dst(%dma_wait3A_87 : memref<128xi32, #tpu.memory_space<vmem>>)
    %run_scoped3A = arith.constant 0 : i32
    %run_scoped3A_89 = arith.constant 0 : i32
    "tpu.region"() ({
      %run_scoped3A_120 = tpu.sem_alloc : memref<!tpu.dma_semaphore, #tpu.memory_space<semaphore_mem>>
      %dma_start3A_121 = arith.constant 0 : i32
      %dma_start3A_122 = arith.constant 0 : i32
      %dma_start3A_123 = tpu.memref_slice %arg9[%run_scoped3A, %dma_start3A_121, %dma_start3A_122] : memref<2x128x128xf32, #tpu.memory_space<vmem>> -> memref<1x128x128xf32, #tpu.memory_space<vmem>>
      %dma_start3A_124 = tpu.memref_squeeze %dma_start3A_123 : memref<1x128x128xf32, #tpu.memory_space<vmem>> -> memref<128x128xf32, #tpu.memory_space<vmem>>
      %dma_start3A_125 = arith.constant 0 : i32
      %dma_start3A_126 = tpu.memref_slice %arg8[%run_scoped3A_89, %dma_start3A_125] : memref<2x128xi32, #tpu.memory_space<vmem>> -> memref<1x128xi32, #tpu.memory_space<vmem>>
      %dma_start3A_127 = tpu.memref_squeeze %dma_start3A_126 : memref<1x128xi32, #tpu.memory_space<vmem>> -> memref<128xi32, #tpu.memory_space<vmem>>
      %dma_start3A_128 = arith.constant 0 : i32
      %dma_start3A_129 = arith.constant 0 : i32
      %dma_start3A_130 = tpu.memref_slice %arg14[%dma_start3A_128, %dma_start3A_129] : memref<10112x128xf32, #tpu.memory_space<vmem_shared>> -> memref<10112x128xf32, #tpu.memory_space<vmem_shared>>
      tpu.enqueue_indirect_dma source(%dma_start3A_124 : memref<128x128xf32, #tpu.memory_space<vmem>>) target(%dma_start3A_130 : memref<10112x128xf32, #tpu.memory_space<vmem_shared>>) offsets(%dma_start3A_127 : memref<128xi32, #tpu.memory_space<vmem>>) semaphore(%run_scoped3A_120 : memref<!tpu.dma_semaphore, #tpu.memory_space<semaphore_mem>>) {add = true}
      %dma_wait3A_131 = arith.constant 0 : i32
      %dma_wait3A_132 = arith.constant 0 : i32
      %dma_wait3A_133 = tpu.memref_slice %arg9[%run_scoped3A, %dma_wait3A_131, %dma_wait3A_132] : memref<2x128x128xf32, #tpu.memory_space<vmem>> -> memref<1x128x128xf32, #tpu.memory_space<vmem>>
      %dma_wait3A_134 = tpu.memref_squeeze %dma_wait3A_133 : memref<1x128x128xf32, #tpu.memory_space<vmem>> -> memref<128x128xf32, #tpu.memory_space<vmem>>
      %dma_wait3A_135 = arith.constant 0 : i32
      %dma_wait3A_136 = tpu.memref_slice %arg8[%run_scoped3A_89, %dma_wait3A_135] : memref<2x128xi32, #tpu.memory_space<vmem>> -> memref<1x128xi32, #tpu.memory_space<vmem>>
      %dma_wait3A_137 = tpu.memref_squeeze %dma_wait3A_136 : memref<1x128xi32, #tpu.memory_space<vmem>> -> memref<128xi32, #tpu.memory_space<vmem>>
      %dma_wait3A_138 = arith.constant 0 : i32
      %dma_wait3A_139 = arith.constant 0 : i32
      %dma_wait3A_140 = tpu.memref_slice %arg14[%dma_wait3A_138, %dma_wait3A_139] : memref<10112x128xf32, #tpu.memory_space<vmem_shared>> -> memref<10112x128xf32, #tpu.memory_space<vmem_shared>>
      tpu.wait_indirect_dma semaphore(%run_scoped3A_120 : memref<!tpu.dma_semaphore, #tpu.memory_space<semaphore_mem>>) src(%dma_wait3A_134 : memref<128x128xf32, #tpu.memory_space<vmem>>) dst(%dma_wait3A_140 : memref<10112x128xf32, #tpu.memory_space<vmem_shared>>)
      tpu.yield
    }) : () -> ()
    %dma_wait3A_90 = arith.constant 79 : i32
    %dma_wait3A_91 = arith.constant 1 : i32
    %dma_wait3A_92 = arith.constant 0 : i32
    %dma_wait3A_93 = arith.constant 0 : i32
    %dma_wait3A_94 = tpu.memref_slice %arg9[%dma_wait3A_91, %dma_wait3A_92, %dma_wait3A_93] : memref<2x128x128xf32, #tpu.memory_space<vmem>> -> memref<1x128x128xf32, #tpu.memory_space<vmem>>
    %dma_wait3A_95 = tpu.memref_squeeze %dma_wait3A_94 : memref<1x128x128xf32, #tpu.memory_space<vmem>> -> memref<128x128xf32, #tpu.memory_space<vmem>>
    %dma_wait3A_96 = arith.constant 0 : i32
    %dma_wait3A_97 = tpu.memref_slice %arg7[%dma_wait3A_90, %dma_wait3A_96] : memref<80x128xi32, #tpu.memory_space<vmem>> -> memref<1x128xi32, #tpu.memory_space<vmem>>
    %dma_wait3A_98 = tpu.memref_squeeze %dma_wait3A_97 : memref<1x128xi32, #tpu.memory_space<vmem>> -> memref<128xi32, #tpu.memory_space<vmem>>
    %dma_wait3A_99 = arith.constant 0 : i32
    %dma_wait3A_100 = arith.constant 0 : i32
    %dma_wait3A_101 = tpu.memref_slice %arg2[%dma_wait3A_99, %dma_wait3A_100] : memref<10112x128xf32, #tpu.memory_space<hbm>> -> memref<10112x128xf32, #tpu.memory_space<hbm>>
    tpu.wait_indirect_dma semaphore(%arg11 : memref<!tpu.dma_semaphore, #tpu.memory_space<semaphore_mem>>) src(%dma_wait3A_101 : memref<10112x128xf32, #tpu.memory_space<hbm>>) dst(%dma_wait3A_95 : memref<128x128xf32, #tpu.memory_space<vmem>>)
    %add3A_102 = arith.constant 10112 : i32
    %add3A_103 = arith.addi %mul3A_4, %add3A_102 : i32
    %dma_wait3A_104 = arith.constant 1 : i32
    %dma_wait3A_105 = arith.constant 0 : i32
    %dma_wait3A_106 = tpu.memref_slice %arg8[%dma_wait3A_104, %dma_wait3A_105] : memref<2x128xi32, #tpu.memory_space<vmem>> -> memref<1x128xi32, #tpu.memory_space<vmem>>
    %dma_wait3A_107 = tpu.memref_squeeze %dma_wait3A_106 : memref<1x128xi32, #tpu.memory_space<vmem>> -> memref<128xi32, #tpu.memory_space<vmem>>
    %dma_wait3A_108 = tpu.memref_slice %arg4[%add3A_103] : memref<327680xi32, #tpu.memory_space<hbm>> -> memref<128xi32, #tpu.memory_space<hbm>>
    %dma_wait3A_109 = arith.constant 0 : i32
    %dma_wait3A_110 = tpu.memref_slice %arg8[%dma_wait3A_104, %dma_wait3A_109] : memref<2x128xi32, #tpu.memory_space<vmem>> -> memref<1x128xi32, #tpu.memory_space<vmem>>
    %dma_wait3A_111 = tpu.memref_squeeze %dma_wait3A_110 : memref<1x128xi32, #tpu.memory_space<vmem>> -> memref<128xi32, #tpu.memory_space<vmem>>
    %dma_wait3A_112 = tpu.memref_slice %arg4[%add3A_103] : memref<327680xi32, #tpu.memory_space<hbm>> -> memref<128xi32, #tpu.memory_space<hbm>>
    tpu.wait_dma2 semaphore(%arg13 : memref<!tpu.dma_semaphore, #tpu.memory_space<semaphore_mem>>) src(%dma_wait3A_112 : memref<128xi32, #tpu.memory_space<hbm>>) dst(%dma_wait3A_111 : memref<128xi32, #tpu.memory_space<vmem>>)
    %run_scoped3A_113 = arith.constant 1 : i32
    %run_scoped3A_114 = arith.constant 1 : i32
    "tpu.region"() ({
      %run_scoped3A_120 = tpu.sem_alloc : memref<!tpu.dma_semaphore, #tpu.memory_space<semaphore_mem>>
      %dma_start3A_121 = arith.constant 0 : i32
      %dma_start3A_122 = arith.constant 0 : i32
      %dma_start3A_123 = tpu.memref_slice %arg9[%run_scoped3A_113, %dma_start3A_121, %dma_start3A_122] : memref<2x128x128xf32, #tpu.memory_space<vmem>> -> memref<1x128x128xf32, #tpu.memory_space<vmem>>
      %dma_start3A_124 = tpu.memref_squeeze %dma_start3A_123 : memref<1x128x128xf32, #tpu.memory_space<vmem>> -> memref<128x128xf32, #tpu.memory_space<vmem>>
      %dma_start3A_125 = arith.constant 0 : i32
      %dma_start3A_126 = tpu.memref_slice %arg8[%run_scoped3A_114, %dma_start3A_125] : memref<2x128xi32, #tpu.memory_space<vmem>> -> memref<1x128xi32, #tpu.memory_space<vmem>>
      %dma_start3A_127 = tpu.memref_squeeze %dma_start3A_126 : memref<1x128xi32, #tpu.memory_space<vmem>> -> memref<128xi32, #tpu.memory_space<vmem>>
      %dma_start3A_128 = arith.constant 0 : i32
      %dma_start3A_129 = arith.constant 0 : i32
      %dma_start3A_130 = tpu.memref_slice %arg14[%dma_start3A_128, %dma_start3A_129] : memref<10112x128xf32, #tpu.memory_space<vmem_shared>> -> memref<10112x128xf32, #tpu.memory_space<vmem_shared>>
      tpu.enqueue_indirect_dma source(%dma_start3A_124 : memref<128x128xf32, #tpu.memory_space<vmem>>) target(%dma_start3A_130 : memref<10112x128xf32, #tpu.memory_space<vmem_shared>>) offsets(%dma_start3A_127 : memref<128xi32, #tpu.memory_space<vmem>>) semaphore(%run_scoped3A_120 : memref<!tpu.dma_semaphore, #tpu.memory_space<semaphore_mem>>) {add = true}
      %dma_wait3A_131 = arith.constant 0 : i32
      %dma_wait3A_132 = arith.constant 0 : i32
      %dma_wait3A_133 = tpu.memref_slice %arg9[%run_scoped3A_113, %dma_wait3A_131, %dma_wait3A_132] : memref<2x128x128xf32, #tpu.memory_space<vmem>> -> memref<1x128x128xf32, #tpu.memory_space<vmem>>
      %dma_wait3A_134 = tpu.memref_squeeze %dma_wait3A_133 : memref<1x128x128xf32, #tpu.memory_space<vmem>> -> memref<128x128xf32, #tpu.memory_space<vmem>>
      %dma_wait3A_135 = arith.constant 0 : i32
      %dma_wait3A_136 = tpu.memref_slice %arg8[%run_scoped3A_114, %dma_wait3A_135] : memref<2x128xi32, #tpu.memory_space<vmem>> -> memref<1x128xi32, #tpu.memory_space<vmem>>
      %dma_wait3A_137 = tpu.memref_squeeze %dma_wait3A_136 : memref<1x128xi32, #tpu.memory_space<vmem>> -> memref<128xi32, #tpu.memory_space<vmem>>
      %dma_wait3A_138 = arith.constant 0 : i32
      %dma_wait3A_139 = arith.constant 0 : i32
      %dma_wait3A_140 = tpu.memref_slice %arg14[%dma_wait3A_138, %dma_wait3A_139] : memref<10112x128xf32, #tpu.memory_space<vmem_shared>> -> memref<10112x128xf32, #tpu.memory_space<vmem_shared>>
      tpu.wait_indirect_dma semaphore(%run_scoped3A_120 : memref<!tpu.dma_semaphore, #tpu.memory_space<semaphore_mem>>) src(%dma_wait3A_134 : memref<128x128xf32, #tpu.memory_space<vmem>>) dst(%dma_wait3A_140 : memref<10112x128xf32, #tpu.memory_space<vmem_shared>>)
      tpu.yield
    }) : () -> ()
    %barrier3A_115 = arith.constant 0 : index
    tpu.barrier barrier_id(%barrier3A_115)
    %mul3A_116 = arith.constant 632 : i32
    %mul3A_117 = arith.muli %arg1, %mul3A_116 : i32
    %mul3A_118 = arith.constant 632 : i32
    %mul3A_119 = arith.muli %arg1, %mul3A_118 : i32
    "tpu.region"() ({
      %run_scoped3A_120 = tpu.sem_alloc : memref<!tpu.dma_semaphore, #tpu.memory_space<semaphore_mem>>
      %dma_start3A_121 = arith.constant 0 : i32
      %dma_start3A_122 = tpu.memref_slice %arg6[%arg0, %mul3A_119, %dma_start3A_121] : memref<2x10112x128xf32, #tpu.memory_space<hbm>> -> memref<1x632x128xf32, #tpu.memory_space<hbm>>
      %dma_start3A_123 = tpu.memref_squeeze %dma_start3A_122 : memref<1x632x128xf32, #tpu.memory_space<hbm>> -> memref<632x128xf32, #tpu.memory_space<hbm>>
      %dma_start3A_124 = arith.constant 0 : i32
      %dma_start3A_125 = tpu.memref_slice %arg14[%mul3A_117, %dma_start3A_124] : memref<10112x128xf32, #tpu.memory_space<vmem_shared>> -> memref<632x128xf32, #tpu.memory_space<vmem_shared>>
      tpu.enqueue_dma source(%dma_start3A_125 : memref<632x128xf32, #tpu.memory_space<vmem_shared>>) target(%dma_start3A_123 : memref<632x128xf32, #tpu.memory_space<hbm>>) target_semaphore(%run_scoped3A_120 : memref<!tpu.dma_semaphore, #tpu.memory_space<semaphore_mem>>)
      %dma_wait3A_126 = arith.constant 0 : i32
      %dma_wait3A_127 = tpu.memref_slice %arg6[%arg0, %mul3A_119, %dma_wait3A_126] : memref<2x10112x128xf32, #tpu.memory_space<hbm>> -> memref<1x632x128xf32, #tpu.memory_space<hbm>>
      %dma_wait3A_128 = tpu.memref_squeeze %dma_wait3A_127 : memref<1x632x128xf32, #tpu.memory_space<hbm>> -> memref<632x128xf32, #tpu.memory_space<hbm>>
      %dma_wait3A_129 = arith.constant 0 : i32
      %dma_wait3A_130 = tpu.memref_slice %arg14[%mul3A_117, %dma_wait3A_129] : memref<10112x128xf32, #tpu.memory_space<vmem_shared>> -> memref<632x128xf32, #tpu.memory_space<vmem_shared>>
      tpu.wait_dma2 semaphore(%run_scoped3A_120 : memref<!tpu.dma_semaphore, #tpu.memory_space<semaphore_mem>>) src(%dma_wait3A_130 : memref<632x128xf32, #tpu.memory_space<vmem_shared>>) dst(%dma_wait3A_128 : memref<632x128xf32, #tpu.memory_space<hbm>>)
      tpu.yield
    }) : () -> ()
    return
  }
}

module attributes {stable_mosaic.version = 14 : i64} {
  func.func @_stage_a_body(%arg0: i32, %arg1: memref<632x2xf32, #tpu.memory_space<vmem>>, %arg2: memref<632x128xf32, #tpu.memory_space<vmem>>, %arg3: memref<128x128xf32, #tpu.memory_space<vmem>>, %arg4: memref<1x128xf32, #tpu.memory_space<vmem>>, %arg5: memref<128x128xf32, #tpu.memory_space<vmem>>, %arg6: memref<632x128xf32, #tpu.memory_space<vmem>>, %arg7: memref<632x1xf32, #tpu.memory_space<vmem>>) attributes {dimension_semantics = [#tpu.dimension_semantics<parallel>], iteration_bounds = array<i64: 16>, scalar_prefetch = 0 : i64, scratch_operands = 0 : i64, tpu.core_type = #tpu.core_type<tc>, window_params = [{transform_indices = @transform_0, window_bounds = array<i64: 632, 2>}, {transform_indices = @transform_1, window_bounds = array<i64: 632, 128>}, {pipeline_mode = #tpu.pipeline_mode<synchronous>, transform_indices = @transform_2, window_bounds = array<i64: 128, 128>}, {pipeline_mode = #tpu.pipeline_mode<synchronous>, transform_indices = @transform_3, window_bounds = array<i64: 1, 128>}, {pipeline_mode = #tpu.pipeline_mode<synchronous>, transform_indices = @transform_4, window_bounds = array<i64: 128, 128>}, {transform_indices = @transform_5, window_bounds = array<i64: 632, 128>}, {transform_indices = @transform_6, window_bounds = array<i64: 632, 1>}]} {
    %get3A = arith.constant 0 : index
    %get3A_0 = arith.constant 0 : index
    %get3A_1 = vector.load %arg2[%get3A, %get3A_0] : memref<632x128xf32, #tpu.memory_space<vmem>>, vector<632x128xf32>
    %get3A_2 = arith.constant 0 : index
    %get3A_3 = arith.constant 0 : index
    %get3A_4 = vector.load %arg3[%get3A_2, %get3A_3] : memref<128x128xf32, #tpu.memory_space<vmem>>, vector<128x128xf32>
    %dot_general3A = arith.constant dense<0.000000e+00> : vector<632x128xf32>
    %dot_general3A_5 = tpu.matmul %get3A_1, %get3A_4, %dot_general3A {dimension_numbers = #tpu.dot_dimension_numbers<[1], [0], [0], [1], [0, 0, 1, 1], [], []>, transpose_lhs_hint = false} : vector<632x128xf32>, vector<128x128xf32>, vector<632x128xf32> -> vector<632x128xf32>
    %get3A_6 = arith.constant 0 : index
    %get3A_7 = arith.constant 0 : index
    %get3A_8 = vector.load %arg4[%get3A_6, %get3A_7] : memref<1x128xf32, #tpu.memory_space<vmem>>, vector<1x128xf32>
    %add3A = vector.broadcast %get3A_8 : vector<1x128xf32> to vector<632x128xf32>
    %add3A_9 = arith.addf %dot_general3A_5, %add3A : vector<632x128xf32>
    %max3A = arith.constant 0.000000e+00 : f32
    %max3A_10 = vector.broadcast %max3A : f32 to vector<632x128xf32>
    %max3A_11 = arith.maximumf %add3A_9, %max3A_10 : vector<632x128xf32>
    %get3A_12 = arith.constant 0 : index
    %get3A_13 = arith.constant 0 : index
    %get3A_14 = vector.load %arg5[%get3A_12, %get3A_13] : memref<128x128xf32, #tpu.memory_space<vmem>>, vector<128x128xf32>
    %dot_general3A_15 = arith.constant dense<0.000000e+00> : vector<632x128xf32>
    %dot_general3A_16 = tpu.matmul %max3A_11, %get3A_14, %dot_general3A_15 {dimension_numbers = #tpu.dot_dimension_numbers<[1], [0], [0], [1], [0, 0, 1, 1], [], []>, transpose_lhs_hint = false} : vector<632x128xf32>, vector<128x128xf32>, vector<632x128xf32> -> vector<632x128xf32>
    %get3A_17 = arith.constant 0 : index
    %get3A_18 = arith.constant 0 : index
    %get3A_19 = vector.load %arg1[%get3A_17, %get3A_18] : memref<632x2xf32, #tpu.memory_space<vmem>>, vector<632x2xf32>
    %slice3A = vector.extract_strided_slice %get3A_19 {offsets = [0, 0], sizes = [632, 1], strides = [1, 1]} : vector<632x2xf32> to vector<632x1xf32>
    %squeeze3A = vector.shape_cast %slice3A : vector<632x1xf32> to vector<632xf32>
    %add3A_20 = arith.constant 1.000000e+00 : f32
    %add3A_21 = vector.broadcast %add3A_20 : f32 to vector<632xf32>
    %add3A_22 = arith.addf %add3A_21, %squeeze3A : vector<632xf32>
    %slice3A_23 = vector.extract_strided_slice %get3A_19 {offsets = [0, 1], sizes = [632, 1], strides = [1, 1]} : vector<632x2xf32> to vector<632x1xf32>
    %squeeze3A_24 = vector.shape_cast %slice3A_23 : vector<632x1xf32> to vector<632xf32>
    %add3A_25 = arith.addf %add3A_22, %squeeze3A_24 : vector<632xf32>
    %rsqrt3A = math.rsqrt %add3A_25 : vector<632xf32>
    %broadcast_in_dim3A = vector.shape_cast %rsqrt3A : vector<632xf32> to vector<632x1xf32>
    %mul3A = vector.broadcast %broadcast_in_dim3A : vector<632x1xf32> to vector<632x128xf32>
    %mul3A_26 = arith.mulf %dot_general3A_16, %mul3A : vector<632x128xf32>
    %swap3A = arith.constant 0 : index
    %swap3A_27 = arith.constant 0 : index
    %swap3A_28 = vector.load %arg6[%swap3A, %swap3A_27] : memref<632x128xf32, #tpu.memory_space<vmem>>, vector<632x128xf32>
    tpu.vector_store %arg6[%swap3A, %swap3A_27], %mul3A_26 {strides = array<i32>} : memref<632x128xf32, #tpu.memory_space<vmem>>, vector<632x128xf32>,
    %broadcast_in_dim3A_29 = vector.shape_cast %rsqrt3A : vector<632xf32> to vector<632x1xf32>
    %swap3A_30 = arith.constant 0 : index
    %swap3A_31 = arith.constant 0 : index
    %swap3A_32 = vector.load %arg7[%swap3A_30, %swap3A_31] : memref<632x1xf32, #tpu.memory_space<vmem>>, vector<632x1xf32>
    tpu.vector_store %arg7[%swap3A_30, %swap3A_31], %broadcast_in_dim3A_29 {strides = array<i32>} : memref<632x1xf32, #tpu.memory_space<vmem>>, vector<632x1xf32>,
    return
  }
  func.func @transform_0(%arg0: i32) -> (i32, i32) {
    %c0_i32 = arith.constant 0 : i32
    %c0_i32_0 = arith.constant 0 : i32
    return %arg0, %c0_i32 : i32, i32
  }
  func.func @transform_1(%arg0: i32) -> (i32, i32) {
    %c0_i32 = arith.constant 0 : i32
    %c0_i32_0 = arith.constant 0 : i32
    return %arg0, %c0_i32 : i32, i32
  }
  func.func @transform_2(%arg0: i32) -> (i32, i32) {
    %c0_i32 = arith.constant 0 : i32
    %c0_i32_0 = arith.constant 0 : i32
    %c0_i32_1 = arith.constant 0 : i32
    return %c0_i32, %c0_i32_0 : i32, i32
  }
  func.func @transform_3(%arg0: i32) -> (i32, i32) {
    %c0_i32 = arith.constant 0 : i32
    %c0_i32_0 = arith.constant 0 : i32
    %c0_i32_1 = arith.constant 0 : i32
    return %c0_i32, %c0_i32_0 : i32, i32
  }
  func.func @transform_4(%arg0: i32) -> (i32, i32) {
    %c0_i32 = arith.constant 0 : i32
    %c0_i32_0 = arith.constant 0 : i32
    %c0_i32_1 = arith.constant 0 : i32
    return %c0_i32, %c0_i32_0 : i32, i32
  }
  func.func @transform_5(%arg0: i32) -> (i32, i32) {
    %c0_i32 = arith.constant 0 : i32
    %c0_i32_0 = arith.constant 0 : i32
    return %arg0, %c0_i32 : i32, i32
  }
  func.func @transform_6(%arg0: i32) -> (i32, i32) {
    %c0_i32 = arith.constant 0 : i32
    %c0_i32_0 = arith.constant 0 : i32
    return %arg0, %c0_i32 : i32, i32
  }
}

module attributes {stable_mosaic.version = 14 : i64} {
  func.func @_stage_mid_body(%arg0: i32, %arg1: memref<2x632x128xf32, #tpu.memory_space<vmem>>, %arg2: memref<632x128xf32, #tpu.memory_space<vmem>>, %arg3: memref<632x1xf32, #tpu.memory_space<vmem>>, %arg4: memref<1x128xf32, #tpu.memory_space<vmem>>, %arg5: memref<128x128xf32, #tpu.memory_space<vmem>>, %arg6: memref<632x128xf32, #tpu.memory_space<vmem>>) attributes {dimension_semantics = [#tpu.dimension_semantics<parallel>], iteration_bounds = array<i64: 16>, scalar_prefetch = 0 : i64, scratch_operands = 0 : i64, tpu.core_type = #tpu.core_type<tc>, window_params = [{transform_indices = @transform_0, window_bounds = array<i64: 2, 632, 128>}, {transform_indices = @transform_1, window_bounds = array<i64: 632, 128>}, {transform_indices = @transform_2, window_bounds = array<i64: 632, 1>}, {pipeline_mode = #tpu.pipeline_mode<synchronous>, transform_indices = @transform_3, window_bounds = array<i64: 1, 128>}, {pipeline_mode = #tpu.pipeline_mode<synchronous>, transform_indices = @transform_4, window_bounds = array<i64: 128, 128>}, {transform_indices = @transform_5, window_bounds = array<i64: 632, 128>}]} {
    %get3A = arith.constant 0 : index
    %get3A_0 = arith.constant 0 : index
    %get3A_1 = vector.load %arg3[%get3A, %get3A_0] : memref<632x1xf32, #tpu.memory_space<vmem>>, vector<632x1xf32>
    %get3A_2 = arith.constant 0 : index
    %get3A_3 = arith.constant 0 : index
    %get3A_4 = arith.constant 0 : index
    %get3A_5 = vector.load %arg1[%get3A_2, %get3A_3, %get3A_4] : memref<2x632x128xf32, #tpu.memory_space<vmem>>, vector<1x632x128xf32>
    %get3A_6 = vector.shape_cast %get3A_5 : vector<1x632x128xf32> to vector<632x128xf32>
    %get3A_7 = arith.constant 1 : index
    %get3A_8 = arith.constant 0 : index
    %get3A_9 = arith.constant 0 : index
    %get3A_10 = vector.load %arg1[%get3A_7, %get3A_8, %get3A_9] : memref<2x632x128xf32, #tpu.memory_space<vmem>>, vector<1x632x128xf32>
    %get3A_11 = vector.shape_cast %get3A_10 : vector<1x632x128xf32> to vector<632x128xf32>
    %add3A = arith.addf %get3A_6, %get3A_11 : vector<632x128xf32>
    %get3A_12 = arith.constant 0 : index
    %get3A_13 = arith.constant 0 : index
    %get3A_14 = vector.load %arg2[%get3A_12, %get3A_13] : memref<632x128xf32, #tpu.memory_space<vmem>>, vector<632x128xf32>
    %add3A_15 = arith.addf %add3A, %get3A_14 : vector<632x128xf32>
    %mul3A = vector.broadcast %get3A_1 : vector<632x1xf32> to vector<632x128xf32>
    %mul3A_16 = arith.mulf %mul3A, %add3A_15 : vector<632x128xf32>
    %get3A_17 = arith.constant 0 : index
    %get3A_18 = arith.constant 0 : index
    %get3A_19 = vector.load %arg4[%get3A_17, %get3A_18] : memref<1x128xf32, #tpu.memory_space<vmem>>, vector<1x128xf32>
    %add3A_20 = vector.broadcast %get3A_19 : vector<1x128xf32> to vector<632x128xf32>
    %add3A_21 = arith.addf %mul3A_16, %add3A_20 : vector<632x128xf32>
    %max3A = arith.constant 0.000000e+00 : f32
    %max3A_22 = vector.broadcast %max3A : f32 to vector<632x128xf32>
    %max3A_23 = arith.maximumf %add3A_21, %max3A_22 : vector<632x128xf32>
    %get3A_24 = arith.constant 0 : index
    %get3A_25 = arith.constant 0 : index
    %get3A_26 = vector.load %arg5[%get3A_24, %get3A_25] : memref<128x128xf32, #tpu.memory_space<vmem>>, vector<128x128xf32>
    %dot_general3A = arith.constant dense<0.000000e+00> : vector<632x128xf32>
    %dot_general3A_27 = tpu.matmul %max3A_23, %get3A_26, %dot_general3A {dimension_numbers = #tpu.dot_dimension_numbers<[1], [0], [0], [1], [0, 0, 1, 1], [], []>, transpose_lhs_hint = false} : vector<632x128xf32>, vector<128x128xf32>, vector<632x128xf32> -> vector<632x128xf32>
    %mul3A_28 = vector.broadcast %get3A_1 : vector<632x1xf32> to vector<632x128xf32>
    %mul3A_29 = arith.mulf %mul3A_28, %dot_general3A_27 : vector<632x128xf32>
    %swap3A = arith.constant 0 : index
    %swap3A_30 = arith.constant 0 : index
    %swap3A_31 = vector.load %arg6[%swap3A, %swap3A_30] : memref<632x128xf32, #tpu.memory_space<vmem>>, vector<632x128xf32>
    tpu.vector_store %arg6[%swap3A, %swap3A_30], %mul3A_29 {strides = array<i32>} : memref<632x128xf32, #tpu.memory_space<vmem>>, vector<632x128xf32>,
    return
  }
  func.func @transform_0(%arg0: i32) -> (i32, i32, i32) {
    %c0_i32 = arith.constant 0 : i32
    %c0_i32_0 = arith.constant 0 : i32
    %c0_i32_1 = arith.constant 0 : i32
    return %c0_i32, %arg0, %c0_i32_0 : i32, i32, i32
  }
  func.func @transform_1(%arg0: i32) -> (i32, i32) {
    %c0_i32 = arith.constant 0 : i32
    %c0_i32_0 = arith.constant 0 : i32
    return %arg0, %c0_i32 : i32, i32
  }
  func.func @transform_2(%arg0: i32) -> (i32, i32) {
    %c0_i32 = arith.constant 0 : i32
    %c0_i32_0 = arith.constant 0 : i32
    return %arg0, %c0_i32 : i32, i32
  }
  func.func @transform_3(%arg0: i32) -> (i32, i32) {
    %c0_i32 = arith.constant 0 : i32
    %c0_i32_0 = arith.constant 0 : i32
    %c0_i32_1 = arith.constant 0 : i32
    return %c0_i32, %c0_i32_0 : i32, i32
  }
  func.func @transform_4(%arg0: i32) -> (i32, i32) {
    %c0_i32 = arith.constant 0 : i32
    %c0_i32_0 = arith.constant 0 : i32
    %c0_i32_1 = arith.constant 0 : i32
    return %c0_i32, %c0_i32_0 : i32, i32
  }
  func.func @transform_5(%arg0: i32) -> (i32, i32) {
    %c0_i32 = arith.constant 0 : i32
    %c0_i32_0 = arith.constant 0 : i32
    return %arg0, %c0_i32 : i32, i32
  }
}

module attributes {stable_mosaic.version = 14 : i64} {
  func.func @_stage_out_body(%arg0: i32, %arg1: memref<2x632x128xf32, #tpu.memory_space<vmem>>, %arg2: memref<632x128xf32, #tpu.memory_space<vmem>>, %arg3: memref<632x1xf32, #tpu.memory_space<vmem>>, %arg4: memref<1x128xf32, #tpu.memory_space<vmem>>, %arg5: memref<128x8xf32, #tpu.memory_space<vmem>>, %arg6: memref<1x8xf32, #tpu.memory_space<vmem>>, %arg7: memref<632x8xf32, #tpu.memory_space<vmem>>) attributes {dimension_semantics = [#tpu.dimension_semantics<parallel>], iteration_bounds = array<i64: 16>, scalar_prefetch = 0 : i64, scratch_operands = 0 : i64, tpu.core_type = #tpu.core_type<tc>, window_params = [{transform_indices = @transform_0, window_bounds = array<i64: 2, 632, 128>}, {transform_indices = @transform_1, window_bounds = array<i64: 632, 128>}, {transform_indices = @transform_2, window_bounds = array<i64: 632, 1>}, {pipeline_mode = #tpu.pipeline_mode<synchronous>, transform_indices = @transform_3, window_bounds = array<i64: 1, 128>}, {pipeline_mode = #tpu.pipeline_mode<synchronous>, transform_indices = @transform_4, window_bounds = array<i64: 128, 8>}, {pipeline_mode = #tpu.pipeline_mode<synchronous>, transform_indices = @transform_5, window_bounds = array<i64: 1, 8>}, {transform_indices = @transform_6, window_bounds = array<i64: 632, 8>}]} {
    %get3A = arith.constant 0 : index
    %get3A_0 = arith.constant 0 : index
    %get3A_1 = vector.load %arg3[%get3A, %get3A_0] : memref<632x1xf32, #tpu.memory_space<vmem>>, vector<632x1xf32>
    %get3A_2 = arith.constant 0 : index
    %get3A_3 = arith.constant 0 : index
    %get3A_4 = arith.constant 0 : index
    %get3A_5 = vector.load %arg1[%get3A_2, %get3A_3, %get3A_4] : memref<2x632x128xf32, #tpu.memory_space<vmem>>, vector<1x632x128xf32>
    %get3A_6 = vector.shape_cast %get3A_5 : vector<1x632x128xf32> to vector<632x128xf32>
    %get3A_7 = arith.constant 1 : index
    %get3A_8 = arith.constant 0 : index
    %get3A_9 = arith.constant 0 : index
    %get3A_10 = vector.load %arg1[%get3A_7, %get3A_8, %get3A_9] : memref<2x632x128xf32, #tpu.memory_space<vmem>>, vector<1x632x128xf32>
    %get3A_11 = vector.shape_cast %get3A_10 : vector<1x632x128xf32> to vector<632x128xf32>
    %add3A = arith.addf %get3A_6, %get3A_11 : vector<632x128xf32>
    %get3A_12 = arith.constant 0 : index
    %get3A_13 = arith.constant 0 : index
    %get3A_14 = vector.load %arg2[%get3A_12, %get3A_13] : memref<632x128xf32, #tpu.memory_space<vmem>>, vector<632x128xf32>
    %add3A_15 = arith.addf %add3A, %get3A_14 : vector<632x128xf32>
    %mul3A = vector.broadcast %get3A_1 : vector<632x1xf32> to vector<632x128xf32>
    %mul3A_16 = arith.mulf %mul3A, %add3A_15 : vector<632x128xf32>
    %get3A_17 = arith.constant 0 : index
    %get3A_18 = arith.constant 0 : index
    %get3A_19 = vector.load %arg4[%get3A_17, %get3A_18] : memref<1x128xf32, #tpu.memory_space<vmem>>, vector<1x128xf32>
    %add3A_20 = vector.broadcast %get3A_19 : vector<1x128xf32> to vector<632x128xf32>
    %add3A_21 = arith.addf %mul3A_16, %add3A_20 : vector<632x128xf32>
    %max3A = arith.constant 0.000000e+00 : f32
    %max3A_22 = vector.broadcast %max3A : f32 to vector<632x128xf32>
    %max3A_23 = arith.maximumf %add3A_21, %max3A_22 : vector<632x128xf32>
    %get3A_24 = arith.constant 0 : index
    %get3A_25 = arith.constant 0 : index
    %get3A_26 = vector.load %arg5[%get3A_24, %get3A_25] : memref<128x8xf32, #tpu.memory_space<vmem>>, vector<128x8xf32>
    %dot_general3A = arith.constant dense<0.000000e+00> : vector<632x8xf32>
    %dot_general3A_27 = tpu.matmul %max3A_23, %get3A_26, %dot_general3A {dimension_numbers = #tpu.dot_dimension_numbers<[1], [0], [0], [1], [0, 0, 1, 1], [], []>, transpose_lhs_hint = false} : vector<632x128xf32>, vector<128x8xf32>, vector<632x8xf32> -> vector<632x8xf32>
    %get3A_28 = arith.constant 0 : index
    %get3A_29 = arith.constant 0 : index
    %get3A_30 = vector.load %arg6[%get3A_28, %get3A_29] : memref<1x8xf32, #tpu.memory_space<vmem>>, vector<1x8xf32>
    %add3A_31 = vector.broadcast %get3A_30 : vector<1x8xf32> to vector<632x8xf32>
    %add3A_32 = arith.addf %dot_general3A_27, %add3A_31 : vector<632x8xf32>
    %swap3A = arith.constant 0 : index
    %swap3A_33 = arith.constant 0 : index
    %swap3A_34 = vector.load %arg7[%swap3A, %swap3A_33] : memref<632x8xf32, #tpu.memory_space<vmem>>, vector<632x8xf32>
    tpu.vector_store %arg7[%swap3A, %swap3A_33], %add3A_32 {strides = array<i32>} : memref<632x8xf32, #tpu.memory_space<vmem>>, vector<632x8xf32>,
    return
  }
  func.func @transform_0(%arg0: i32) -> (i32, i32, i32) {
    %c0_i32 = arith.constant 0 : i32
    %c0_i32_0 = arith.constant 0 : i32
    %c0_i32_1 = arith.constant 0 : i32
    return %c0_i32, %arg0, %c0_i32_0 : i32, i32, i32
  }
  func.func @transform_1(%arg0: i32) -> (i32, i32) {
    %c0_i32 = arith.constant 0 : i32
    %c0_i32_0 = arith.constant 0 : i32
    return %arg0, %c0_i32 : i32, i32
  }
  func.func @transform_2(%arg0: i32) -> (i32, i32) {
    %c0_i32 = arith.constant 0 : i32
    %c0_i32_0 = arith.constant 0 : i32
    return %arg0, %c0_i32 : i32, i32
  }
  func.func @transform_3(%arg0: i32) -> (i32, i32) {
    %c0_i32 = arith.constant 0 : i32
    %c0_i32_0 = arith.constant 0 : i32
    %c0_i32_1 = arith.constant 0 : i32
    return %c0_i32, %c0_i32_0 : i32, i32
  }
  func.func @transform_4(%arg0: i32) -> (i32, i32) {
    %c0_i32 = arith.constant 0 : i32
    %c0_i32_0 = arith.constant 0 : i32
    %c0_i32_1 = arith.constant 0 : i32
    return %c0_i32, %c0_i32_0 : i32, i32
  }
  func.func @transform_5(%arg0: i32) -> (i32, i32) {
    %c0_i32 = arith.constant 0 : i32
    %c0_i32_0 = arith.constant 0 : i32
    %c0_i32_1 = arith.constant 0 : i32
    return %c0_i32, %c0_i32_0 : i32, i32
  }
  func.func @transform_6(%arg0: i32) -> (i32, i32) {
    %c0_i32 = arith.constant 0 : i32
    %c0_i32_0 = arith.constant 0 : i32
    return %arg0, %c0_i32 : i32, i32
  }
}

</mosaic_0001>

<sc_bundles>
// kernel: kernel.11.cloned.1.call-start
scs
__scs_entry_jumppad:
0x0: {  	(pc) =	sbr.rel $0x88, $3  }
0x1: {  	(tag) =	ssettag $0x0;
	lr =	simm.s32 $0x1  }
0x2: {  	[smem:$0x3F97] =	sst lr;
	_ =	strace $0xD0000000  }
0x3: {  	_ = 	snop  }
0x4: {  	_ = 	snop  }
0x5: {  	_ = 	snop  }
0x6: {  	_ = 	snop  }
0x7: {  	_ = 	snop  }
__scs_overlays_trampoline_lowered:
0x8: {  	[smem:$0x3FA6] =	sst s0  }
0x9: {  	[smem:$0x3FA7] =	sst s1  }
0xa: {  	[smem:$0x3FA8] =	sst s2  }
0xb: {  	[smem:$0x3FA9] =	sst s3  }
0xc: {  	[smem:$0x3FAA] =	sst s4  }
0xd: {  	[smem:$0x3FAB] =	sst s5  }
0xe: {  	[smem:$0x3FAC] =	sst s6  }
0xf: {  	[smem:$0x3FAD] =	sst s7  }
0x10: {  	[smem:$0x3FAE] =	sst s8  }
0x11: {  	[smem:$0x3FAF] =	sst s9;
	s0 =	simm.s32 @!p0 $0x0  }
0x12: {  	s1 =	sld [smem:$0x3F95];
	s0 =	simm.s32 @p0 $0x1  }
0x13: {  	[smem:$0x3FB0] =	sst s0;
	s0 =	simm.s32 @!p1 $0x0  }
0x14: {  	s2 =	sld [smem:$0x3F94];
	s0 =	simm.s32 @p1 $0x1  }
0x15: {  	[smem:$0x3FB1] =	sst s0;
	s0 =	simm.s32 @!p2 $0x0  }
0x16: {  	s3 =	sld [smem:$0x3FDB];
	s0 =	simm.s32 @p2 $0x1  }
0x17: {  	s4 =	simm.s32 $0x1BF5;
	[smem:$0x3FB3] =	sst s0  }
0x18: {  	s0 =	sld [smem:$0x3F96];
	_ =	swait.ge [sflag:s4], $0x0  }
0x19: {  	s7 =	sld [smem:$0x3F97]  }
0x1a: {  	s8 =	sadd.s32 $0xFFFFE003, lr  }
0x1b: {  	s9 =	sadd.s32 $0xFFFFFEF7, lr;
	s5 =	simm.s32 $0xFFFFFFFF;
	p2 =	slt.u32 s8, $0xFFFFF086  }
0x1c: {  	p1 =	slt.u32 s9, $0xF7A;
	s5 =	simm.s32 @!p2 $0x0  }
0x1d: {  	s5 =	simm.s32 @p1 $0x1;
	p0 =	seq.s32 s7, s2  }
0x1e: {  	s7 =	smul.u32 @!p0 $0xF7A, s2;
	p2 =	seq.s32 @!p0 s5, $0x0  }
0x1f: {  	s9 =	smul.u32 $0xF7A, s1;
	s8 =	simm.s32 @!p0 $0x1BF5;
	p2 =	por !p2, p0  }
0x20: {  	[sflag:s8] =	ssyncset.s32 @!p0 $0xFFFFF086;
	s6 =	sadd.s32 @!p0 s3, s7;
	s7 =	simm.s32 @!p0 $0x108  }
0x21: {  	s3 =	sadd.s32 s3, s9;
	s6 =	sadd.s32 @!p0 $0x88, s6;
	s7 =	simm.s32 @p2 $0x1082  }
0x22: {  	[simem:s7], [sflag:s8] =	dma.local @!p0 [hbm:s6], $0xF7A  }
0x23: {  	s9 =	sor.u32 $0xD0000000, s2;
	s6 =	simm.s32 $0x108;
	_ =	swait.ge @!p0 [sflag:s8], $0x0  }
0x24: {  	s3 =	sadd.s32 $0x88, s3;
	s6 =	simm.s32 @!p1 $0x1082;
	[sflag:s4] =	ssyncset.s32 $0xFFFFF086  }
0x25: {  	[simem:s6], [sflag:s4] =	dma.local [hbm:s3], $0xF7A  }
0x26: {  	[smem:$0x3F97] =	sst s1;
	(tag) =	ssettag s2;
	_ =	strace s9  }
0x27: {  	s1 =	sld [smem:$0x3FA7]  }
0x28: {  	s2 =	sld [smem:$0x3FA8]  }
0x29: {  	s4 =	sld [smem:$0x3FAA]  }
0x2a: {  	p0 =	seq.s32 s5, $0x0;
	s5 =	sld [smem:$0x3FAB]  }
0x2b: {  	s6 =	sld [smem:$0x3FAC]  }
0x2c: {  	s7 =	sld [smem:$0x3FAD]  }
0x2d: {  	s3 =	simm.s32 $0x108;
	s8 =	sld [smem:$0x3FAE]  }
0x2e: {  	s3 =	simm.s32 @!p0 $0x1082;
	s9 =	sld [smem:$0x3FAF]  }
0x2f: {  	lr =	sadd.s32 s0, s3;
	s0 =	sld [smem:$0x3FA6]  }
0x30: {  	s3 =	sld [smem:$0x3FA9]  }
0x31: {  	[smem:$0x3FB2] =	sst s10  }
0x32: {  	s10 =	sld [smem:$0x3FB0];
	_ =	sdelay $0x3  }
0x33: {  	p0 =	seq.s32 s10, $0x1;
	s10 =	sld [smem:$0x3FB2];
	_ =	sdelay $0x3  }
0x34: {  	[smem:$0x3FB2] =	sst s10  }
0x35: {  	s10 =	sld [smem:$0x3FB1];
	_ =	sdelay $0x3  }
0x36: {  	p1 =	seq.s32 s10, $0x1;
	s10 =	sld [smem:$0x3FB2];
	_ =	sdelay $0x3  }
0x37: {  	[smem:$0x3FB2] =	sst s10  }
0x38: {  	s10 =	sld [smem:$0x3FB3]  }
0x39: {  	_ = 	snop;
	(pc) =	sbr.ind lr, $3  }
0x3a: {  	_ = 	snop  }
0x3b: {  	_ = 	snop  }
0x3c: {  	p2 =	seq.s32 s10, $0x1;
	s10 =	sld [smem:$0x3FB2]  }
0x3d: {  	_ =	shalt  }
0x3e: {  	_ =	shalt  }
0x3f: {  	_ =	shalt  }
0x40: {  	_ =	shalt  }
0x41: {  	_ =	shalt  }
0x42: {  	_ =	shalt  }
0x43: {  	_ =	shalt  }
0x44: {  	_ =	shalt  }
0x45: {  	_ =	shalt  }
0x46: {  	_ =	shalt  }
0x47: {  	_ =	shalt  }
0x48: {  	_ =	shalt  }
0x49: {  	_ =	shalt  }
0x4a: {  	_ =	shalt  }
0x4b: {  	_ =	shalt  }
0x4c: {  	_ =	shalt  }
0x4d: {  	_ =	shalt  }
0x4e: {  	_ =	shalt  }
0x4f: {  	_ =	shalt  }
0x50: {  	_ =	shalt  }
0x51: {  	_ =	shalt  }
0x52: {  	_ =	shalt  }
0x53: {  	_ =	shalt  }
0x54: {  	_ =	shalt  }
0x55: {  	_ =	shalt  }
0x56: {  	_ =	shalt  }
0x57: {  	_ =	shalt  }
0x58: {  	_ =	shalt  }
0x59: {  	_ =	shalt  }
0x5a: {  	_ =	shalt  }
0x5b: {  	_ =	shalt  }
0x5c: {  	_ =	shalt  }
0x5d: {  	_ =	shalt  }
0x5e: {  	_ =	shalt  }
0x5f: {  	_ =	shalt  }
0x60: {  	_ =	shalt  }
0x61: {  	_ =	shalt  }
0x62: {  	_ =	shalt  }
0x63: {  	_ =	shalt  }
0x64: {  	_ =	shalt  }
0x65: {  	_ =	shalt  }
0x66: {  	_ =	shalt  }
0x67: {  	_ =	shalt  }
0x68: {  	_ =	shalt  }
0x69: {  	_ =	shalt  }
0x6a: {  	_ =	shalt  }
0x6b: {  	_ =	shalt  }
0x6c: {  	_ =	shalt  }
0x6d: {  	_ =	shalt  }
0x6e: {  	_ =	shalt  }
0x6f: {  	_ =	shalt  }
0x70: {  	_ =	shalt  }
0x71: {  	_ =	shalt  }
0x72: {  	_ =	shalt  }
0x73: {  	_ =	shalt  }
0x74: {  	_ =	shalt  }
0x75: {  	_ =	shalt  }
0x76: {  	_ =	shalt  }
0x77: {  	_ =	shalt  }
0x78: {  	_ =	shalt  }
0x79: {  	_ =	shalt  }
0x7a: {  	_ =	shalt  }
0x7b: {  	_ =	shalt  }
0x7c: {  	_ =	shalt  }
0x7d: {  	_ =	shalt  }
0x7e: {  	_ =	shalt  }
0x7f: {  	_ =	shalt  }
0x80: {  	_ =	shalt  }
0x81: {  	_ =	shalt  }
0x82: {  	_ =	shalt  }
0x83: {  	_ =	shalt  }
0x84: {  	_ =	shalt  }
0x85: {  	_ =	shalt  }
0x86: {  	_ =	shalt  }
0x87: {  	_ =	shalt  }
.Lfunc_end0:
.L_simem_size_0:
called_computation.1_lowered:
.L_overlay_start_0:
0x88: {  	s2 =	sld [smem:$0x3FD9]  }
0x89: {  	s3 =	sld [smem:$0x3FFE];
	_ =	sdelay $0x1  }
0x8a: {  	s1 =	srdreg.scid  }
0x8b: {  	s0 =	sand.u32 $0x1, s1  }
0x8c: {  	s16 =	sshll.u32 s0, $0xA;
	s2 =	sadd.s32 s3, s2  }
0x8d: {  	s2 =	sadd.s32 s2, s16  }
0x8e: {  	[smem:$0x3FBE] =	sst s2  }
0x8f: {  	_ = 	snop  }
0x90: {  	(tm) =	ssettm $0x1  }
0x91: {  	s17 =	sld [smem:$0x3FFB];
	_ =	sdelay $0x3  }
0x92: {  	_ =	strace s17  }
0x93: {  	s2 =	sld [smem:$0x3FFC];
	_ =	sdelay $0x3  }
0x94: {  	_ =	strace s2  }
0x95: {  	s2 =	sld [smem:$0x3FFD];
	_ =	sdelay $0x3  }
0x96: {  	_ =	strace s2  }
0x97: {  	_ =	strace $0x8FFFFFFF  }
0x98: {  	s18 =	sld [smem:$0x3FDB];
	_ =	sdelay $0x1  }
0x99: {  	s19 =	simm.s32 $_scs_section_size  }
0x9a: {  	s4 =	simm.s32 $_size__tile_overlayer_lowered;
	s5 =	simm.s32 $_tile_overlayer_lowered  }
0x9b: {  	s22 =	simm.s32 $0x1BFF;
	s21 =	sshll.u32 s5, $0x1;
	s2 =	sadd.s32 s19, s18  }
0x9c: {  	s6 =	simm.s32 $0x0;
	s20 =	sshll.u32 s4, $0x1;
	s4 =	sadd.s32 s21, s2  }
0x9d: {  	[timem:s6], [sflag:s22] =	dma.local [hbm:s4], s20  }
0x9e: {  	_ =	swait.ge [sflag:s22], s20  }
0x9f: {  	s3 =	ssub.s32 $0x0, s20;
	[sflag:s22] =	ssyncset.done $0x0  }
0xa0: {  	[sflag:s22] =	ssyncadd.s32 s3;
	_ =	sdelay $0x1  }
0xa1: {  	s23 =	simm.s32 $0x1B8B  }
0xa2: {  	_ =	swait.ge [sflag:s23], $0x1  }
0xa3: {  	[sflag:s23] =	ssyncset.done $0x0  }
0xa4: {  	s25 =	simm.s32 $0x1B8E;
	s24 =	sld [smem:$0x3FFE];
	[sflag:s23] =	ssyncadd.s32 $0xFFFFFFFF  }
0xa5: {  	s26 =	simm.s32 $execute0_lowered;
	[smem:$0x3FD2] =	sst s25  }
0xa6: {  	s4 =	sshll.u32 s26, $0x1;
	_ =	strace $0x80000049;
	[dreg:$0x1] =	wrdreg $0xFFFFFFFF  }
0xa7: {  	s28 =	simm.s32 $_size_execute0_lowered;
	s2 =	sadd.s32 s2, s4;
	[dreg:$0x0] =	wrdreg $0x0  }
0xa8: {  	s4 =	sshll.u32 s28, $0x1;
	[dreg:$0x2] =	wrdreg s2  }
0xa9: {  	[dreg:$0x3] =	wrdreg s4  }
0xaa: {  	[dreg:$0x4] =	wrdreg $0xC0  }
0xab: {  	_ =	task [dreg:s6], $0x5FFFF  }
0xac: {  	[dreg:$0x1] =	wrdreg $0xFFFFFFFF  }
0xad: {  	[dreg:$0x0] =	wrdreg $0x60  }
0xae: {  	[dreg:$0x2] =	wrdreg s24  }
0xaf: {  	[dreg:$0x3] =	wrdreg $0xA9000  }
0xb0: {  	[dreg:$0x4] =	wrdreg $0x9  }
0xb1: {  	_ =	task.clear_ibuf [dreg:s6], $0x5FFFF;
	_ =	strace $0x90000049  }
0xb2: {  	s29 =	simm.s32 $0x9;
	_ =	strace $0x8000004B  }
0xb3: {  	_ =	swait.ge [sflag:s29], $0x1  }
0xb4: {  	[sflag:s29] =	ssyncadd.s32 $0xFFFFFFFF  }
0xb5: {  	_ =	strace $0x9000004B  }
0xb6: {  	_ =	sfence  }
0xb7: {  	s30 =	sld [smem:$0x0];
	_ =	sdelay $0x2  }
0xb8: {  	s31 =	sshll.u32 s1, $0xD;
	s1 =	sshrl.u32 s1, $0x2  }
0xb9: {  	s3 =	sand.u32 $0x4000, s31;
	s1 =	sadd.s32 s1, s30  }
0xba: {  	s0 =	sor.u32 s3, s0;
	s1 =	sshll.u32 s1, $0x11  }
0xbb: {  	s0 =	sor.u32 s1, s0  }
0xbc: {  	s0 =	sadd.s32 $0x8F2B, s0  }
0xbd: {  	[sflag:s0] =	ssyncadd.remote.s32 $0x1  }
0xbe: {  	_ =	sfence.sel $0xFFFF  }
0xbf: {  	[dreg:$0x0] =	wrdreg $0xFFFFFFFF;
	(pc) =	sbr.abs _section_cstart, $3  }
0xc0: {  	[dreg:$0x1] =	wrdreg $0xFFFFFFFF  }
0xc1: {  	_ =	task.clear_ibuf [dreg:s6], $0x2FFFF;
	_ =	strace $0x9FFFFFFF  }
0xc2: {  	(tm) =	ssettm $0x7FFFFFFF  }
0xc3: {  	_ =	shalt  }
tec
execute0_lowered:
.L_overlay_start_1:
0x0: {  	(tag) =	ssettag $0x1  }
0x1: {  	s1 =	srdreg.scid  }
0x2: {  	s0 =	stileid.u32;
	s5 =	rddreg [dreg:$0x0]  }
0x3: {  	s2 =	rddreg [dreg:$0x1];
	s3 =	simm.s32 $0x0;
	s17 =	simm.s32 $0x5  }
0x4: {  	s18 =	simm.s32 $0x1;
	s19 =	simm.s32 $0x80;
	s20 =	simm.s32 $0x2900  }
0x5: {  	s7 =	sand.u32 $0x1, s1;
	s1 =	rddreg [dreg:$0x2];
	s9 =	smul.u32 $0x13C00, s0  }
0x6: {  	s21 =	sshll.u32 s0, $0x1;
	[smem:$0x7FF] =	sst s3;
	s23 =	smul.u32 $0x4F000, s0  }
0x7: {  	s4 =	sadd.s32 $0x16800, s5;
	s13 =	sadd.s32 $0xC800, s5;
	s24 =	smul.u32 $0x5000, s0  }
0x8: {  	s26 =	sshll.u32 s0, $0x6;
	s6 =	sor.u32 s7, s21;
	s10 =	smul.u32 $0x13C000, s7  }
0x9: {  	_ =	strace $0x8000004A;
	s22 =	ssub.s32 $0x2, s7;
	s15 =	smul.u32 $0x2800, s7  }
0xa: {  	s21 =	simm.s32 $0x6900;
	s8 =	smul.u32 $0x500, s6;
	s11 =	sshrl.u32 s9, $0x3  }
0xb: {  	s12 =	sshrl.u32 s22, $0x1;
	s6 =	smul.u32 $0x2800, s6;
	s25 =	sshrl.u32 s23, $0x2  }
0xc: {  	s23 =	simm.s32 $0x2;
	s11 =	sadd.s32 s11, s5;
	s9 =	sadd.s32 s9, s10  }
0xd: {  	s12 =	ssub.s32 s22, s12;
	s16 =	sadd.s32 s25, s2;
	s28 =	sadd.s32 s15, s24  }
0xe: {  	s22 =	simm.s32 $0x3;
	s24 =	simm.s32 $0x4;
	s25 =	simm.s32 $0x2780  }
0xf: {  	s8 =	sadd.s32 s8, s5;
	s9 =	sshrl.u32 s9, $0x3;
	s6 =	sshrl.u32 s6, $0x3  }
0x10: {  	s29 =	sor.u32 $0x180, s28;
	s15 =	sor.u32 $0x100, s28;
	s16 =	sshrl.u32 s16, $0x3  }
0x11: {  	s14 =	sadd.s32 s9, s5;
	s5 =	sadd.s32 $0x2800, s8;
	s6 =	sadd.s32 s13, s6  }
0x12: {  	s8 =	sadd.s32 $0x3E000, s11;
	s9 =	sor.u32 $0x1C05, s26;
	s11 =	smax.u32 s12, $0x1  }
0x13: {  	s30 =	sshrl.u32 s29, $0x3;
	s31 =	sshrl.u32 s15, $0x3;
	s15 =	simm.s32 $0x2880  }
0x14: {  	s26 =	simm.s32 $0x0;
	s7 =	sadd.s32 $0x10, s6;
	s10 =	sadd.s32 $0x65800, s14  }
0x15: {  	s12 =	sadd.s32 s30, s13;
	s13 =	sadd.s32 s31, s13;
	s14 =	simm.s32 $0x2800  }
.LBB2_1:
0x16: {  	[tilespmem:s3], [sflag:$0x1] =	stream.linear.gather [hbm4b:s5+s3], $0x2800, $0x38;
	[tilespmem:$0x1E500] =	vst v63  }
0x17: {  	_ = 	snop  }
0x18: {  	[tilespmem:s14], [sflag:$0x3] =	stream.linear.gather [hbm4b:s6+s3], $0x80, $0x38;
	[tilespmem:$0x1E500] =	vst v63  }
0x19: {  	_ = 	snop  }
0x1a: {  	[tilespmem:s15], [sflag:$0x4] =	stream.linear.gather [hbm4b:s7+s3], $0x80, $0x38;
	[tilespmem:$0x1E500] =	vst v63  }
0x1b: {  	[spmem:s16], [sflag:s9] =	dma.local [hbm:s8], $0x2780  }
0x1c: {  	_ =	swait.ge [sflag:s17], $0x2780  }
0x1d: {  	[sflag:s17] =	ssyncset.done $0x0  }
0x1e: {  	[sflag:s17] =	ssyncadd.s32 $0xFFFFD880  }
0x1f: {  	_ =	swait.ge [sflag:s18], $0x2800  }
0x20: {  	[sflag:s18] =	ssyncset.done $0x0  }
0x21: {  	[sflag:s18] =	ssyncadd.s32 $0xFFFFD800  }
0x22: {  	[bflag:$0x0] =	sbarrier.arrive $0xFFFF  }
0x23: {  	[tilespmem:s20], [sflag:$0x1] =	stream.indirect.gather [hbm4b:s4+s19], $0x80, s3, s19, $0xb8;
	[tilespmem:$0x1E500] =	vst v63  }
0x24: {  	_ =	swait.ge [sflag:s18], $0x4000  }
0x25: {  	[sflag:s18] =	ssyncset.done $0x0  }
0x26: {  	s28 =	simm.s32 $0x80;
	[sflag:s18] =	ssyncadd.s32 $0xFFFFC000  }
0x27: {  	[tilespmem:s21], [sflag:$0x2] =	stream.indirect.gather [hbm4b:s4+s19], $0x80, s28, s19, $0xb8;
	[tilespmem:$0x1E500] =	vst v63  }
0x28: {  	_ =	swait.ge [sflag:s22], $0x80  }
0x29: {  	[sflag:s22] =	ssyncset.done $0x0  }
0x2a: {  	[sflag:s22] =	ssyncadd.s32 $0xFFFFFF80  }
0x2b: {  	[spmem:s2] =	stream.indirect.scatter.add.f32 [tilespmem:s20], [sflag:$0x5], $0x80, s14, s19, $0xb8;
	[tilespmem:$0x1E500] =	vst v63  }
0x2c: {  	_ =	swait.ge [sflag:s17], $0x4000  }
0x2d: {  	[sflag:s17] =	ssyncset.done $0x0  }
0x2e: {  	s28 =	sadd.s32 $0x0, s13;
	[sflag:s17] =	ssyncadd.s32 $0xFFFFC000  }
0x2f: {  	[tilespmem:s14], [sflag:$0x3] =	stream.linear.gather [hbm4b:s28+s3], $0x80, $0x38;
	[tilespmem:$0x1E500] =	vst v63  }
0x30: {  	_ =	swait.ge [sflag:s23], $0x4000  }
0x31: {  	[sflag:s23] =	ssyncset.done $0x0  }
0x32: {  	s28 =	simm.s32 $0x100;
	[sflag:s23] =	ssyncadd.s32 $0xFFFFC000  }
0x33: {  	[tilespmem:s20], [sflag:$0x1] =	stream.indirect.gather [hbm4b:s4+s19], $0x80, s28, s19, $0xb8;
	[tilespmem:$0x1E500] =	vst v63  }
0x34: {  	_ =	swait.ge [sflag:s24], $0x80  }
0x35: {  	[sflag:s24] =	ssyncset.done $0x0  }
0x36: {  	[sflag:s24] =	ssyncadd.s32 $0xFFFFFF80  }
0x37: {  	[spmem:s2] =	stream.indirect.scatter.add.f32 [tilespmem:s21], [sflag:$0x5], $0x80, s15, s19, $0xb8;
	[tilespmem:$0x1E500] =	vst v63  }
0x38: {  	_ =	swait.ge [sflag:s17], $0x4000  }
0x39: {  	s30 =	sadd.s32 $0x0, s12;
	[sflag:s17] =	ssyncset.done $0x0  }
0x3a: {  	s29 =	simm.s32 $0x200;
	s28 =	simm.s32 $0x20;
	[sflag:s17] =	ssyncadd.s32 $0xFFFFC000  }
.LBB2_2:
0x3b: {  	[tilespmem:s15], [sflag:$0x4] =	stream.linear.gather [hbm4b:s30+s3], $0x80, $0x38;
	[tilespmem:$0x1E500] =	vst v63  }
0x3c: {  	s30 =	smov.u32 s28  }
0x3d: {  	p0 =	sne.s32 s28, $0x4C0;
	s28 =	sadd.s32 $0x20, s28;
	_ =	swait.ge [sflag:s18], $0x4000  }
0x3e: {  	[sflag:s18] =	ssyncset.done $0x0  }
0x3f: {  	s31 =	sadd.s32 $0xFFFFFF80, s29;
	[sflag:s18] =	ssyncadd.s32 $0xFFFFC000  }
0x40: {  	[tilespmem:s21], [sflag:$0x2] =	stream.indirect.gather [hbm4b:s4+s19], $0x80, s31, s19, $0xb8;
	[tilespmem:$0x1E500] =	vst v63  }
0x41: {  	_ =	swait.ge [sflag:s22], $0x80  }
0x42: {  	[sflag:s22] =	ssyncset.done $0x0  }
0x43: {  	[sflag:s22] =	ssyncadd.s32 $0xFFFFFF80  }
0x44: {  	[spmem:s2] =	stream.indirect.scatter.add.f32 [tilespmem:s20], [sflag:$0x5], $0x80, s14, s19, $0xb8;
	[tilespmem:$0x1E500] =	vst v63  }
0x45: {  	_ =	swait.ge [sflag:s17], $0x4000  }
0x46: {  	[sflag:s17] =	ssyncset.done $0x0  }
0x47: {  	s31 =	sadd.s32 s30, s13;
	[sflag:s17] =	ssyncadd.s32 $0xFFFFC000  }
0x48: {  	[tilespmem:s14], [sflag:$0x3] =	stream.linear.gather [hbm4b:s31+s3], $0x80, $0x38;
	[tilespmem:$0x1E500] =	vst v63  }
0x49: {  	_ =	swait.ge [sflag:s23], $0x4000  }
0x4a: {  	[sflag:s23] =	ssyncset.done $0x0  }
0x4b: {  	[sflag:s23] =	ssyncadd.s32 $0xFFFFC000  }
0x4c: {  	[tilespmem:s20], [sflag:$0x1] =	stream.indirect.gather [hbm4b:s4+s19], $0x80, s29, s19, $0xb8;
	[tilespmem:$0x1E500] =	vst v63  }
0x4d: {  	_ =	swait.ge [sflag:s24], $0x80  }
0x4e: {  	[sflag:s24] =	ssyncset.done $0x0  }
.Ltmp0:
0x4f: {  	[sflag:s24] =	ssyncadd.s32 $0xFFFFFF80;
	(pc) =	sbr.rel @p0 .LBB2_2-.Ltmp0, $4  }
0x50: {  	[spmem:s2] =	stream.indirect.scatter.add.f32 [tilespmem:s21], [sflag:$0x5], $0x80, s15, s19, $0xb8;
	[tilespmem:$0x1E500] =	vst v63  }
0x51: {  	_ =	swait.ge [sflag:s17], $0x4000  }
0x52: {  	[sflag:s17] =	ssyncset.done $0x0  }
0x53: {  	s30 =	sadd.s32 s30, s12;
	s29 =	sadd.s32 $0x100, s29;
	[sflag:s17] =	ssyncadd.s32 $0xFFFFC000  }
0x54: {  	[tilespmem:s15], [sflag:$0x4] =	stream.linear.gather [hbm4b:s30+s3], $0x80, $0x38;
	[tilespmem:$0x1E500] =	vst v63  }
0x55: {  	_ =	swait.ge [sflag:s18], $0x4000  }
0x56: {  	[sflag:s18] =	ssyncset.done $0x0  }
0x57: {  	[sflag:s18] =	ssyncadd.s32 $0xFFFFC000  }
0x58: {  	[tilespmem:s21], [sflag:$0x2] =	stream.indirect.gather [hbm4b:s4+s19], $0x80, s25, s19, $0xb8;
	[tilespmem:$0x1E500] =	vst v63  }
0x59: {  	_ =	swait.ge [sflag:s22], $0x80  }
0x5a: {  	[sflag:s22] =	ssyncset.done $0x0  }
0x5b: {  	[sflag:s22] =	ssyncadd.s32 $0xFFFFFF80  }
0x5c: {  	[spmem:s2] =	stream.indirect.scatter.add.f32 [tilespmem:s20], [sflag:$0x5], $0x80, s14, s19, $0xb8;
	[tilespmem:$0x1E500] =	vst v63  }
0x5d: {  	_ =	swait.ge [sflag:s17], $0x4000  }
0x5e: {  	[sflag:s17] =	ssyncset.done $0x0  }
0x5f: {  	[sflag:s17] =	ssyncadd.s32 $0xFFFFC000  }
0x60: {  	_ =	swait.ge [sflag:s23], $0x4000  }
0x61: {  	[sflag:s23] =	ssyncset.done $0x0  }
0x62: {  	[sflag:s23] =	ssyncadd.s32 $0xFFFFC000  }
0x63: {  	_ =	swait.ge [sflag:s24], $0x80  }
0x64: {  	[sflag:s24] =	ssyncset.done $0x0  }
0x65: {  	[sflag:s24] =	ssyncadd.s32 $0xFFFFFF80  }
0x66: {  	[spmem:s2] =	stream.indirect.scatter.add.f32 [tilespmem:s21], [sflag:$0x5], $0x80, s15, s19, $0xb8;
	[tilespmem:$0x1E500] =	vst v63  }
0x67: {  	_ =	swait.ge [sflag:s17], $0x4000  }
0x68: {  	s26 =	sadd.s32 $0x1, s26;
	[sflag:s17] =	ssyncset.done $0x0  }
0x69: {  	p0 =	sne.s32 s26, s11;
	[sflag:s17] =	ssyncadd.s32 $0xFFFFC000  }
.Ltmp1:
0x6a: {  	[bflag:$0x0] =	sbarrier.arrive $0xFFFF;
	(pc) =	sbr.rel @p0 .LBB2_1-.Ltmp1, $4  }
0x6b: {  	[hbm:s10], [sflag:s9] =	dma.local [spmem:s16], $0x2780  }
0x6c: {  	_ =	swait.ge [sflag:s17], $0x2780  }
0x6d: {  	[sflag:s17] =	ssyncset.done $0x0  }
0x6e: {  	[sflag:s17] =	ssyncadd.s32 $0xFFFFD880  }
0x6f: {  	_ =	sfence.sel $0x180000  }
0x70: {  	[bflag:$0x0] =	sbarrier.arrive $0xFFFF  }
0x71: {  	p0 =	sne.s32 s0, $0x0;
	_ =	strace $0x9000004A  }
0x72: {  	s0 =	sadd.s32 @!p0 $0x100000, s1;
	[bflag:$0x2] =	sbarrier.arrive $0xFFFF  }
0x73: {  	[sflag:s0] =	ssyncadd.tile.s32 @!p0 $0x1;
	_ =	shalt  }
.Lfunc_end2:
_tile_overlayer_lowered:
.L_overlay_start_2:
0x74: {  	(tag) =	ssettag $0x2  }
0x75: {  	s0 =	rddreg [dreg:$0x0];
	s2 =	stileid.u32  }
0x76: {  	s1 =	rddreg [dreg:$0x1];
	p0 =	sne.s32 s2, $0x0  }
0x77: {  	s3 =	rddreg [dreg:$0x2];
	[bflag:$0x3] =	sbarrier.arrive $0xFFFF;
	s2 =	simm.s32 @!p0 $0x1C05  }
0x78: {  	[timem:s3], [sflag:s2] =	dma.local @!p0 [hbm:s0], s1  }
0x79: {  	s0 =	simm.s32 @!p0 $0x5  }
0x7a: {  	_ =	swait.ge @!p0 [sflag:s0], s1  }
0x7b: {  	s1 =	ssub.s32 @!p0 $0x0, s1;
	[sflag:s0] =	ssyncset.done @!p0 $0x0  }
0x7c: {  	[sflag:s0] =	ssyncadd.s32 @!p0 s1  }
0x7d: {  	[bflag:$0x3] =	sbarrier.arrive $0xFFFF  }
0x7e: {  	_ =	shalt  }

// kernel: kernel.14.cloned.1.call-start
scs
__scs_entry_jumppad:
0x0: {  	(pc) =	sbr.rel $0x88, $3  }
0x1: {  	(tag) =	ssettag $0x0;
	lr =	simm.s32 $0x1  }
0x2: {  	[smem:$0x3F97] =	sst lr;
	_ =	strace $0xD0000000  }
0x3: {  	_ = 	snop  }
0x4: {  	_ = 	snop  }
0x5: {  	_ = 	snop  }
0x6: {  	_ = 	snop  }
0x7: {  	_ = 	snop  }
__scs_overlays_trampoline_lowered:
0x8: {  	[smem:$0x3FA6] =	sst s0  }
0x9: {  	[smem:$0x3FA7] =	sst s1  }
0xa: {  	[smem:$0x3FA8] =	sst s2  }
0xb: {  	[smem:$0x3FA9] =	sst s3  }
0xc: {  	[smem:$0x3FAA] =	sst s4  }
0xd: {  	[smem:$0x3FAB] =	sst s5  }
0xe: {  	[smem:$0x3FAC] =	sst s6  }
0xf: {  	[smem:$0x3FAD] =	sst s7  }
0x10: {  	[smem:$0x3FAE] =	sst s8  }
0x11: {  	[smem:$0x3FAF] =	sst s9;
	s0 =	simm.s32 @!p0 $0x0  }
0x12: {  	s1 =	sld [smem:$0x3F95];
	s0 =	simm.s32 @p0 $0x1  }
0x13: {  	[smem:$0x3FB0] =	sst s0;
	s0 =	simm.s32 @!p1 $0x0  }
0x14: {  	s2 =	sld [smem:$0x3F94];
	s0 =	simm.s32 @p1 $0x1  }
0x15: {  	[smem:$0x3FB1] =	sst s0;
	s0 =	simm.s32 @!p2 $0x0  }
0x16: {  	s3 =	sld [smem:$0x3FDB];
	s0 =	simm.s32 @p2 $0x1  }
0x17: {  	s4 =	simm.s32 $0x1BF5;
	[smem:$0x3FB3] =	sst s0  }
0x18: {  	s0 =	sld [smem:$0x3F96];
	_ =	swait.ge [sflag:s4], $0x0  }
0x19: {  	s7 =	sld [smem:$0x3F97]  }
0x1a: {  	s8 =	sadd.s32 $0xFFFFE003, lr  }
0x1b: {  	s9 =	sadd.s32 $0xFFFFFEF7, lr;
	s5 =	simm.s32 $0xFFFFFFFF;
	p2 =	slt.u32 s8, $0xFFFFF086  }
0x1c: {  	p1 =	slt.u32 s9, $0xF7A;
	s5 =	simm.s32 @!p2 $0x0  }
0x1d: {  	s5 =	simm.s32 @p1 $0x1;
	p0 =	seq.s32 s7, s2  }
0x1e: {  	s7 =	smul.u32 @!p0 $0xF7A, s2;
	p2 =	seq.s32 @!p0 s5, $0x0  }
0x1f: {  	s9 =	smul.u32 $0xF7A, s1;
	s8 =	simm.s32 @!p0 $0x1BF5;
	p2 =	por !p2, p0  }
0x20: {  	[sflag:s8] =	ssyncset.s32 @!p0 $0xFFFFF086;
	s6 =	sadd.s32 @!p0 s3, s7;
	s7 =	simm.s32 @!p0 $0x108  }
0x21: {  	s3 =	sadd.s32 s3, s9;
	s6 =	sadd.s32 @!p0 $0x88, s6;
	s7 =	simm.s32 @p2 $0x1082  }
0x22: {  	[simem:s7], [sflag:s8] =	dma.local @!p0 [hbm:s6], $0xF7A  }
0x23: {  	s9 =	sor.u32 $0xD0000000, s2;
	s6 =	simm.s32 $0x108;
	_ =	swait.ge @!p0 [sflag:s8], $0x0  }
0x24: {  	s3 =	sadd.s32 $0x88, s3;
	s6 =	simm.s32 @!p1 $0x1082;
	[sflag:s4] =	ssyncset.s32 $0xFFFFF086  }
0x25: {  	[simem:s6], [sflag:s4] =	dma.local [hbm:s3], $0xF7A  }
0x26: {  	[smem:$0x3F97] =	sst s1;
	(tag) =	ssettag s2;
	_ =	strace s9  }
0x27: {  	s1 =	sld [smem:$0x3FA7]  }
0x28: {  	s2 =	sld [smem:$0x3FA8]  }
0x29: {  	s4 =	sld [smem:$0x3FAA]  }
0x2a: {  	p0 =	seq.s32 s5, $0x0;
	s5 =	sld [smem:$0x3FAB]  }
0x2b: {  	s6 =	sld [smem:$0x3FAC]  }
0x2c: {  	s7 =	sld [smem:$0x3FAD]  }
0x2d: {  	s3 =	simm.s32 $0x108;
	s8 =	sld [smem:$0x3FAE]  }
0x2e: {  	s3 =	simm.s32 @!p0 $0x1082;
	s9 =	sld [smem:$0x3FAF]  }
0x2f: {  	lr =	sadd.s32 s0, s3;
	s0 =	sld [smem:$0x3FA6]  }
0x30: {  	s3 =	sld [smem:$0x3FA9]  }
0x31: {  	[smem:$0x3FB2] =	sst s10  }
0x32: {  	s10 =	sld [smem:$0x3FB0];
	_ =	sdelay $0x3  }
0x33: {  	p0 =	seq.s32 s10, $0x1;
	s10 =	sld [smem:$0x3FB2];
	_ =	sdelay $0x3  }
0x34: {  	[smem:$0x3FB2] =	sst s10  }
0x35: {  	s10 =	sld [smem:$0x3FB1];
	_ =	sdelay $0x3  }
0x36: {  	p1 =	seq.s32 s10, $0x1;
	s10 =	sld [smem:$0x3FB2];
	_ =	sdelay $0x3  }
0x37: {  	[smem:$0x3FB2] =	sst s10  }
0x38: {  	s10 =	sld [smem:$0x3FB3]  }
0x39: {  	_ = 	snop;
	(pc) =	sbr.ind lr, $3  }
0x3a: {  	_ = 	snop  }
0x3b: {  	_ = 	snop  }
0x3c: {  	p2 =	seq.s32 s10, $0x1;
	s10 =	sld [smem:$0x3FB2]  }
0x3d: {  	_ =	shalt  }
0x3e: {  	_ =	shalt  }
0x3f: {  	_ =	shalt  }
0x40: {  	_ =	shalt  }
0x41: {  	_ =	shalt  }
0x42: {  	_ =	shalt  }
0x43: {  	_ =	shalt  }
0x44: {  	_ =	shalt  }
0x45: {  	_ =	shalt  }
0x46: {  	_ =	shalt  }
0x47: {  	_ =	shalt  }
0x48: {  	_ =	shalt  }
0x49: {  	_ =	shalt  }
0x4a: {  	_ =	shalt  }
0x4b: {  	_ =	shalt  }
0x4c: {  	_ =	shalt  }
0x4d: {  	_ =	shalt  }
0x4e: {  	_ =	shalt  }
0x4f: {  	_ =	shalt  }
0x50: {  	_ =	shalt  }
0x51: {  	_ =	shalt  }
0x52: {  	_ =	shalt  }
0x53: {  	_ =	shalt  }
0x54: {  	_ =	shalt  }
0x55: {  	_ =	shalt  }
0x56: {  	_ =	shalt  }
0x57: {  	_ =	shalt  }
0x58: {  	_ =	shalt  }
0x59: {  	_ =	shalt  }
0x5a: {  	_ =	shalt  }
0x5b: {  	_ =	shalt  }
0x5c: {  	_ =	shalt  }
0x5d: {  	_ =	shalt  }
0x5e: {  	_ =	shalt  }
0x5f: {  	_ =	shalt  }
0x60: {  	_ =	shalt  }
0x61: {  	_ =	shalt  }
0x62: {  	_ =	shalt  }
0x63: {  	_ =	shalt  }
0x64: {  	_ =	shalt  }
0x65: {  	_ =	shalt  }
0x66: {  	_ =	shalt  }
0x67: {  	_ =	shalt  }
0x68: {  	_ =	shalt  }
0x69: {  	_ =	shalt  }
0x6a: {  	_ =	shalt  }
0x6b: {  	_ =	shalt  }
0x6c: {  	_ =	shalt  }
0x6d: {  	_ =	shalt  }
0x6e: {  	_ =	shalt  }
0x6f: {  	_ =	shalt  }
0x70: {  	_ =	shalt  }
0x71: {  	_ =	shalt  }
0x72: {  	_ =	shalt  }
0x73: {  	_ =	shalt  }
0x74: {  	_ =	shalt  }
0x75: {  	_ =	shalt  }
0x76: {  	_ =	shalt  }
0x77: {  	_ =	shalt  }
0x78: {  	_ =	shalt  }
0x79: {  	_ =	shalt  }
0x7a: {  	_ =	shalt  }
0x7b: {  	_ =	shalt  }
0x7c: {  	_ =	shalt  }
0x7d: {  	_ =	shalt  }
0x7e: {  	_ =	shalt  }
0x7f: {  	_ =	shalt  }
0x80: {  	_ =	shalt  }
0x81: {  	_ =	shalt  }
0x82: {  	_ =	shalt  }
0x83: {  	_ =	shalt  }
0x84: {  	_ =	shalt  }
0x85: {  	_ =	shalt  }
0x86: {  	_ =	shalt  }
0x87: {  	_ =	shalt  }
.Lfunc_end0:
.L_simem_size_0:
called_computation.2_lowered:
.L_overlay_start_0:
0x88: {  	s2 =	sld [smem:$0x3FD9]  }
0x89: {  	s3 =	sld [smem:$0x3FFE];
	_ =	sdelay $0x1  }
0x8a: {  	s1 =	srdreg.scid  }
0x8b: {  	s0 =	sand.u32 $0x1, s1  }
0x8c: {  	s16 =	sshll.u32 s0, $0xA;
	s2 =	sadd.s32 s3, s2  }
0x8d: {  	s2 =	sadd.s32 s2, s16  }
0x8e: {  	[smem:$0x3FBE] =	sst s2  }
0x8f: {  	_ = 	snop  }
0x90: {  	(tm) =	ssettm $0x1  }
0x91: {  	s17 =	sld [smem:$0x3FFB];
	_ =	sdelay $0x3  }
0x92: {  	_ =	strace s17  }
0x93: {  	s2 =	sld [smem:$0x3FFC];
	_ =	sdelay $0x3  }
0x94: {  	_ =	strace s2  }
0x95: {  	s2 =	sld [smem:$0x3FFD];
	_ =	sdelay $0x3  }
0x96: {  	_ =	strace s2  }
0x97: {  	_ =	strace $0x8FFFFFFF  }
0x98: {  	s18 =	sld [smem:$0x3FDB];
	_ =	sdelay $0x1  }
0x99: {  	s19 =	simm.s32 $_scs_section_size  }
0x9a: {  	s4 =	simm.s32 $_size__tile_overlayer_lowered;
	s5 =	simm.s32 $_tile_overlayer_lowered  }
0x9b: {  	s22 =	simm.s32 $0x1BFF;
	s21 =	sshll.u32 s5, $0x1;
	s2 =	sadd.s32 s19, s18  }
0x9c: {  	s6 =	simm.s32 $0x0;
	s20 =	sshll.u32 s4, $0x1;
	s4 =	sadd.s32 s21, s2  }
0x9d: {  	[timem:s6], [sflag:s22] =	dma.local [hbm:s4], s20  }
0x9e: {  	_ =	swait.ge [sflag:s22], s20  }
0x9f: {  	s3 =	ssub.s32 $0x0, s20;
	[sflag:s22] =	ssyncset.done $0x0  }
0xa0: {  	[sflag:s22] =	ssyncadd.s32 s3;
	_ =	sdelay $0x1  }
0xa1: {  	s23 =	simm.s32 $0x1B8B  }
0xa2: {  	_ =	swait.ge [sflag:s23], $0x1  }
0xa3: {  	[sflag:s23] =	ssyncset.done $0x0  }
0xa4: {  	s25 =	simm.s32 $0x1B8E;
	s24 =	sld [smem:$0x3FFE];
	[sflag:s23] =	ssyncadd.s32 $0xFFFFFFFF  }
0xa5: {  	s26 =	simm.s32 $execute0_lowered;
	[smem:$0x3FD2] =	sst s25  }
0xa6: {  	s4 =	sshll.u32 s26, $0x1;
	_ =	strace $0x8000004C;
	[dreg:$0x1] =	wrdreg $0xFFFFFFFF  }
0xa7: {  	s28 =	simm.s32 $_size_execute0_lowered;
	s2 =	sadd.s32 s2, s4;
	[dreg:$0x0] =	wrdreg $0x0  }
0xa8: {  	s4 =	sshll.u32 s28, $0x1;
	[dreg:$0x2] =	wrdreg s2  }
0xa9: {  	[dreg:$0x3] =	wrdreg s4  }
0xaa: {  	[dreg:$0x4] =	wrdreg $0xC0  }
0xab: {  	_ =	task [dreg:s6], $0x5FFFF  }
0xac: {  	[dreg:$0x1] =	wrdreg $0xFFFFFFFF  }
0xad: {  	[dreg:$0x0] =	wrdreg $0x60  }
0xae: {  	[dreg:$0x2] =	wrdreg s24  }
0xaf: {  	[dreg:$0x3] =	wrdreg $0xA9000  }
0xb0: {  	[dreg:$0x4] =	wrdreg $0x9  }
0xb1: {  	_ =	task.clear_ibuf [dreg:s6], $0x5FFFF;
	_ =	strace $0x9000004C  }
0xb2: {  	s29 =	simm.s32 $0x9;
	_ =	strace $0x8000004E  }
0xb3: {  	_ =	swait.ge [sflag:s29], $0x1  }
0xb4: {  	[sflag:s29] =	ssyncadd.s32 $0xFFFFFFFF  }
0xb5: {  	_ =	strace $0x9000004E  }
0xb6: {  	_ =	sfence  }
0xb7: {  	s30 =	sld [smem:$0x0];
	_ =	sdelay $0x2  }
0xb8: {  	s31 =	sshll.u32 s1, $0xD;
	s1 =	sshrl.u32 s1, $0x2  }
0xb9: {  	s3 =	sand.u32 $0x4000, s31;
	s1 =	sadd.s32 s1, s30  }
0xba: {  	s0 =	sor.u32 s3, s0;
	s1 =	sshll.u32 s1, $0x11  }
0xbb: {  	s0 =	sor.u32 s1, s0  }
0xbc: {  	s0 =	sadd.s32 $0x8F2B, s0  }
0xbd: {  	[sflag:s0] =	ssyncadd.remote.s32 $0x1  }
0xbe: {  	_ =	sfence.sel $0xFFFF  }
0xbf: {  	[dreg:$0x0] =	wrdreg $0xFFFFFFFF;
	(pc) =	sbr.abs _section_cstart, $3  }
0xc0: {  	[dreg:$0x1] =	wrdreg $0xFFFFFFFF  }
0xc1: {  	_ =	task.clear_ibuf [dreg:s6], $0x2FFFF;
	_ =	strace $0x9FFFFFFF  }
0xc2: {  	(tm) =	ssettm $0x7FFFFFFF  }
0xc3: {  	_ =	shalt  }
tec
execute0_lowered:
.L_overlay_start_1:
0x0: {  	(tag) =	ssettag $0x1  }
0x1: {  	s1 =	srdreg.scid  }
0x2: {  	s0 =	stileid.u32;
	s5 =	rddreg [dreg:$0x0]  }
0x3: {  	s2 =	rddreg [dreg:$0x1];
	s3 =	simm.s32 $0x0;
	s17 =	simm.s32 $0x5  }
0x4: {  	s18 =	simm.s32 $0x1;
	s19 =	simm.s32 $0x80;
	s20 =	simm.s32 $0x2900  }
0x5: {  	s7 =	sand.u32 $0x1, s1;
	s1 =	rddreg [dreg:$0x2];
	s9 =	smul.u32 $0x13C00, s0  }
0x6: {  	s21 =	sshll.u32 s0, $0x1;
	[smem:$0x7FF] =	sst s3;
	s23 =	smul.u32 $0x4F000, s0  }
0x7: {  	s4 =	sadd.s32 $0x16800, s5;
	s13 =	sadd.s32 $0xC800, s5;
	s24 =	smul.u32 $0x5000, s0  }
0x8: {  	s26 =	sshll.u32 s0, $0x6;
	s6 =	sor.u32 s7, s21;
	s10 =	smul.u32 $0x13C000, s7  }
0x9: {  	_ =	strace $0x8000004D;
	s22 =	ssub.s32 $0x2, s7;
	s15 =	smul.u32 $0x2800, s7  }
0xa: {  	s21 =	simm.s32 $0x6900;
	s8 =	smul.u32 $0x500, s6;
	s11 =	sshrl.u32 s9, $0x3  }
0xb: {  	s12 =	sshrl.u32 s22, $0x1;
	s6 =	smul.u32 $0x2800, s6;
	s25 =	sshrl.u32 s23, $0x2  }
0xc: {  	s23 =	simm.s32 $0x2;
	s11 =	sadd.s32 s11, s5;
	s9 =	sadd.s32 s9, s10  }
0xd: {  	s12 =	ssub.s32 s22, s12;
	s16 =	sadd.s32 s25, s2;
	s28 =	sadd.s32 s15, s24  }
0xe: {  	s22 =	simm.s32 $0x3;
	s24 =	simm.s32 $0x4;
	s25 =	simm.s32 $0x2780  }
0xf: {  	s8 =	sadd.s32 s8, s5;
	s9 =	sshrl.u32 s9, $0x3;
	s6 =	sshrl.u32 s6, $0x3  }
0x10: {  	s29 =	sor.u32 $0x180, s28;
	s15 =	sor.u32 $0x100, s28;
	s16 =	sshrl.u32 s16, $0x3  }
0x11: {  	s14 =	sadd.s32 s9, s5;
	s5 =	sadd.s32 $0x2800, s8;
	s6 =	sadd.s32 s13, s6  }
0x12: {  	s8 =	sadd.s32 $0x3E000, s11;
	s9 =	sor.u32 $0x1C05, s26;
	s11 =	smax.u32 s12, $0x1  }
0x13: {  	s30 =	sshrl.u32 s29, $0x3;
	s31 =	sshrl.u32 s15, $0x3;
	s15 =	simm.s32 $0x2880  }
0x14: {  	s26 =	simm.s32 $0x0;
	s7 =	sadd.s32 $0x10, s6;
	s10 =	sadd.s32 $0x65800, s14  }
0x15: {  	s12 =	sadd.s32 s30, s13;
	s13 =	sadd.s32 s31, s13;
	s14 =	simm.s32 $0x2800  }
.LBB2_1:
0x16: {  	[tilespmem:s3], [sflag:$0x1] =	stream.linear.gather [hbm4b:s5+s3], $0x2800, $0x38;
	[tilespmem:$0x1E500] =	vst v63  }
0x17: {  	_ = 	snop  }
0x18: {  	[tilespmem:s14], [sflag:$0x3] =	stream.linear.gather [hbm4b:s6+s3], $0x80, $0x38;
	[tilespmem:$0x1E500] =	vst v63  }
0x19: {  	_ = 	snop  }
0x1a: {  	[tilespmem:s15], [sflag:$0x4] =	stream.linear.gather [hbm4b:s7+s3], $0x80, $0x38;
	[tilespmem:$0x1E500] =	vst v63  }
0x1b: {  	[spmem:s16], [sflag:s9] =	dma.local [hbm:s8], $0x2780  }
0x1c: {  	_ =	swait.ge [sflag:s17], $0x2780  }
0x1d: {  	[sflag:s17] =	ssyncset.done $0x0  }
0x1e: {  	[sflag:s17] =	ssyncadd.s32 $0xFFFFD880  }
0x1f: {  	_ =	swait.ge [sflag:s18], $0x2800  }
0x20: {  	[sflag:s18] =	ssyncset.done $0x0  }
0x21: {  	[sflag:s18] =	ssyncadd.s32 $0xFFFFD800  }
0x22: {  	[bflag:$0x0] =	sbarrier.arrive $0xFFFF  }
0x23: {  	[tilespmem:s20], [sflag:$0x1] =	stream.indirect.gather [hbm4b:s4+s19], $0x80, s3, s19, $0xb8;
	[tilespmem:$0x1E500] =	vst v63  }
0x24: {  	_ =	swait.ge [sflag:s18], $0x4000  }
0x25: {  	[sflag:s18] =	ssyncset.done $0x0  }
0x26: {  	s28 =	simm.s32 $0x80;
	[sflag:s18] =	ssyncadd.s32 $0xFFFFC000  }
0x27: {  	[tilespmem:s21], [sflag:$0x2] =	stream.indirect.gather [hbm4b:s4+s19], $0x80, s28, s19, $0xb8;
	[tilespmem:$0x1E500] =	vst v63  }
0x28: {  	_ =	swait.ge [sflag:s22], $0x80  }
0x29: {  	[sflag:s22] =	ssyncset.done $0x0  }
0x2a: {  	[sflag:s22] =	ssyncadd.s32 $0xFFFFFF80  }
0x2b: {  	[spmem:s2] =	stream.indirect.scatter.add.f32 [tilespmem:s20], [sflag:$0x5], $0x80, s14, s19, $0xb8;
	[tilespmem:$0x1E500] =	vst v63  }
0x2c: {  	_ =	swait.ge [sflag:s17], $0x4000  }
0x2d: {  	[sflag:s17] =	ssyncset.done $0x0  }
0x2e: {  	s28 =	sadd.s32 $0x0, s13;
	[sflag:s17] =	ssyncadd.s32 $0xFFFFC000  }
0x2f: {  	[tilespmem:s14], [sflag:$0x3] =	stream.linear.gather [hbm4b:s28+s3], $0x80, $0x38;
	[tilespmem:$0x1E500] =	vst v63  }
0x30: {  	_ =	swait.ge [sflag:s23], $0x4000  }
0x31: {  	[sflag:s23] =	ssyncset.done $0x0  }
0x32: {  	s28 =	simm.s32 $0x100;
	[sflag:s23] =	ssyncadd.s32 $0xFFFFC000  }
0x33: {  	[tilespmem:s20], [sflag:$0x1] =	stream.indirect.gather [hbm4b:s4+s19], $0x80, s28, s19, $0xb8;
	[tilespmem:$0x1E500] =	vst v63  }
0x34: {  	_ =	swait.ge [sflag:s24], $0x80  }
0x35: {  	[sflag:s24] =	ssyncset.done $0x0  }
0x36: {  	[sflag:s24] =	ssyncadd.s32 $0xFFFFFF80  }
0x37: {  	[spmem:s2] =	stream.indirect.scatter.add.f32 [tilespmem:s21], [sflag:$0x5], $0x80, s15, s19, $0xb8;
	[tilespmem:$0x1E500] =	vst v63  }
0x38: {  	_ =	swait.ge [sflag:s17], $0x4000  }
0x39: {  	s30 =	sadd.s32 $0x0, s12;
	[sflag:s17] =	ssyncset.done $0x0  }
0x3a: {  	s29 =	simm.s32 $0x200;
	s28 =	simm.s32 $0x20;
	[sflag:s17] =	ssyncadd.s32 $0xFFFFC000  }
.LBB2_2:
0x3b: {  	[tilespmem:s15], [sflag:$0x4] =	stream.linear.gather [hbm4b:s30+s3], $0x80, $0x38;
	[tilespmem:$0x1E500] =	vst v63  }
0x3c: {  	s30 =	smov.u32 s28  }
0x3d: {  	p0 =	sne.s32 s28, $0x4C0;
	s28 =	sadd.s32 $0x20, s28;
	_ =	swait.ge [sflag:s18], $0x4000  }
0x3e: {  	[sflag:s18] =	ssyncset.done $0x0  }
0x3f: {  	s31 =	sadd.s32 $0xFFFFFF80, s29;
	[sflag:s18] =	ssyncadd.s32 $0xFFFFC000  }
0x40: {  	[tilespmem:s21], [sflag:$0x2] =	stream.indirect.gather [hbm4b:s4+s19], $0x80, s31, s19, $0xb8;
	[tilespmem:$0x1E500] =	vst v63  }
0x41: {  	_ =	swait.ge [sflag:s22], $0x80  }
0x42: {  	[sflag:s22] =	ssyncset.done $0x0  }
0x43: {  	[sflag:s22] =	ssyncadd.s32 $0xFFFFFF80  }
0x44: {  	[spmem:s2] =	stream.indirect.scatter.add.f32 [tilespmem:s20], [sflag:$0x5], $0x80, s14, s19, $0xb8;
	[tilespmem:$0x1E500] =	vst v63  }
0x45: {  	_ =	swait.ge [sflag:s17], $0x4000  }
0x46: {  	[sflag:s17] =	ssyncset.done $0x0  }
0x47: {  	s31 =	sadd.s32 s30, s13;
	[sflag:s17] =	ssyncadd.s32 $0xFFFFC000  }
0x48: {  	[tilespmem:s14], [sflag:$0x3] =	stream.linear.gather [hbm4b:s31+s3], $0x80, $0x38;
	[tilespmem:$0x1E500] =	vst v63  }
0x49: {  	_ =	swait.ge [sflag:s23], $0x4000  }
0x4a: {  	[sflag:s23] =	ssyncset.done $0x0  }
0x4b: {  	[sflag:s23] =	ssyncadd.s32 $0xFFFFC000  }
0x4c: {  	[tilespmem:s20], [sflag:$0x1] =	stream.indirect.gather [hbm4b:s4+s19], $0x80, s29, s19, $0xb8;
	[tilespmem:$0x1E500] =	vst v63  }
0x4d: {  	_ =	swait.ge [sflag:s24], $0x80  }
0x4e: {  	[sflag:s24] =	ssyncset.done $0x0  }
.Ltmp0:
0x4f: {  	[sflag:s24] =	ssyncadd.s32 $0xFFFFFF80;
	(pc) =	sbr.rel @p0 .LBB2_2-.Ltmp0, $4  }
0x50: {  	[spmem:s2] =	stream.indirect.scatter.add.f32 [tilespmem:s21], [sflag:$0x5], $0x80, s15, s19, $0xb8;
	[tilespmem:$0x1E500] =	vst v63  }
0x51: {  	_ =	swait.ge [sflag:s17], $0x4000  }
0x52: {  	[sflag:s17] =	ssyncset.done $0x0  }
0x53: {  	s30 =	sadd.s32 s30, s12;
	s29 =	sadd.s32 $0x100, s29;
	[sflag:s17] =	ssyncadd.s32 $0xFFFFC000  }
0x54: {  	[tilespmem:s15], [sflag:$0x4] =	stream.linear.gather [hbm4b:s30+s3], $0x80, $0x38;
	[tilespmem:$0x1E500] =	vst v63  }
0x55: {  	_ =	swait.ge [sflag:s18], $0x4000  }
0x56: {  	[sflag:s18] =	ssyncset.done $0x0  }
0x57: {  	[sflag:s18] =	ssyncadd.s32 $0xFFFFC000  }
0x58: {  	[tilespmem:s21], [sflag:$0x2] =	stream.indirect.gather [hbm4b:s4+s19], $0x80, s25, s19, $0xb8;
	[tilespmem:$0x1E500] =	vst v63  }
0x59: {  	_ =	swait.ge [sflag:s22], $0x80  }
0x5a: {  	[sflag:s22] =	ssyncset.done $0x0  }
0x5b: {  	[sflag:s22] =	ssyncadd.s32 $0xFFFFFF80  }
0x5c: {  	[spmem:s2] =	stream.indirect.scatter.add.f32 [tilespmem:s20], [sflag:$0x5], $0x80, s14, s19, $0xb8;
	[tilespmem:$0x1E500] =	vst v63  }
0x5d: {  	_ =	swait.ge [sflag:s17], $0x4000  }
0x5e: {  	[sflag:s17] =	ssyncset.done $0x0  }
0x5f: {  	[sflag:s17] =	ssyncadd.s32 $0xFFFFC000  }
0x60: {  	_ =	swait.ge [sflag:s23], $0x4000  }
0x61: {  	[sflag:s23] =	ssyncset.done $0x0  }
0x62: {  	[sflag:s23] =	ssyncadd.s32 $0xFFFFC000  }
0x63: {  	_ =	swait.ge [sflag:s24], $0x80  }
0x64: {  	[sflag:s24] =	ssyncset.done $0x0  }
0x65: {  	[sflag:s24] =	ssyncadd.s32 $0xFFFFFF80  }
0x66: {  	[spmem:s2] =	stream.indirect.scatter.add.f32 [tilespmem:s21], [sflag:$0x5], $0x80, s15, s19, $0xb8;
	[tilespmem:$0x1E500] =	vst v63  }
0x67: {  	_ =	swait.ge [sflag:s17], $0x4000  }
0x68: {  	s26 =	sadd.s32 $0x1, s26;
	[sflag:s17] =	ssyncset.done $0x0  }
0x69: {  	p0 =	sne.s32 s26, s11;
	[sflag:s17] =	ssyncadd.s32 $0xFFFFC000  }
.Ltmp1:
0x6a: {  	[bflag:$0x0] =	sbarrier.arrive $0xFFFF;
	(pc) =	sbr.rel @p0 .LBB2_1-.Ltmp1, $4  }
0x6b: {  	[hbm:s10], [sflag:s9] =	dma.local [spmem:s16], $0x2780  }
0x6c: {  	_ =	swait.ge [sflag:s17], $0x2780  }
0x6d: {  	[sflag:s17] =	ssyncset.done $0x0  }
0x6e: {  	[sflag:s17] =	ssyncadd.s32 $0xFFFFD880  }
0x6f: {  	_ =	sfence.sel $0x180000  }
0x70: {  	[bflag:$0x0] =	sbarrier.arrive $0xFFFF  }
0x71: {  	p0 =	sne.s32 s0, $0x0;
	_ =	strace $0x9000004D  }
0x72: {  	s0 =	sadd.s32 @!p0 $0x100000, s1;
	[bflag:$0x2] =	sbarrier.arrive $0xFFFF  }
0x73: {  	[sflag:s0] =	ssyncadd.tile.s32 @!p0 $0x1;
	_ =	shalt  }
.Lfunc_end2:
_tile_overlayer_lowered:
.L_overlay_start_2:
0x74: {  	(tag) =	ssettag $0x2  }
0x75: {  	s0 =	rddreg [dreg:$0x0];
	s2 =	stileid.u32  }
0x76: {  	s1 =	rddreg [dreg:$0x1];
	p0 =	sne.s32 s2, $0x0  }
0x77: {  	s3 =	rddreg [dreg:$0x2];
	[bflag:$0x3] =	sbarrier.arrive $0xFFFF;
	s2 =	simm.s32 @!p0 $0x1C05  }
0x78: {  	[timem:s3], [sflag:s2] =	dma.local @!p0 [hbm:s0], s1  }
0x79: {  	s0 =	simm.s32 @!p0 $0x5  }
0x7a: {  	_ =	swait.ge @!p0 [sflag:s0], s1  }
0x7b: {  	s1 =	ssub.s32 @!p0 $0x0, s1;
	[sflag:s0] =	ssyncset.done @!p0 $0x0  }
0x7c: {  	[sflag:s0] =	ssyncadd.s32 @!p0 s1  }
0x7d: {  	[bflag:$0x3] =	sbarrier.arrive $0xFFFF  }
0x7e: {  	_ =	shalt  }

// kernel: kernel.8.cloned.1.call-start
scs
__scs_entry_jumppad:
0x0: {  	(pc) =	sbr.rel $0x88, $3  }
0x1: {  	(tag) =	ssettag $0x0;
	lr =	simm.s32 $0x1  }
0x2: {  	[smem:$0x3F97] =	sst lr;
	_ =	strace $0xD0000000  }
0x3: {  	_ = 	snop  }
0x4: {  	_ = 	snop  }
0x5: {  	_ = 	snop  }
0x6: {  	_ = 	snop  }
0x7: {  	_ = 	snop  }
__scs_overlays_trampoline_lowered:
0x8: {  	[smem:$0x3FA6] =	sst s0  }
0x9: {  	[smem:$0x3FA7] =	sst s1  }
0xa: {  	[smem:$0x3FA8] =	sst s2  }
0xb: {  	[smem:$0x3FA9] =	sst s3  }
0xc: {  	[smem:$0x3FAA] =	sst s4  }
0xd: {  	[smem:$0x3FAB] =	sst s5  }
0xe: {  	[smem:$0x3FAC] =	sst s6  }
0xf: {  	[smem:$0x3FAD] =	sst s7  }
0x10: {  	[smem:$0x3FAE] =	sst s8  }
0x11: {  	[smem:$0x3FAF] =	sst s9;
	s0 =	simm.s32 @!p0 $0x0  }
0x12: {  	s1 =	sld [smem:$0x3F95];
	s0 =	simm.s32 @p0 $0x1  }
0x13: {  	[smem:$0x3FB0] =	sst s0;
	s0 =	simm.s32 @!p1 $0x0  }
0x14: {  	s2 =	sld [smem:$0x3F94];
	s0 =	simm.s32 @p1 $0x1  }
0x15: {  	[smem:$0x3FB1] =	sst s0;
	s0 =	simm.s32 @!p2 $0x0  }
0x16: {  	s3 =	sld [smem:$0x3FDB];
	s0 =	simm.s32 @p2 $0x1  }
0x17: {  	s4 =	simm.s32 $0x1BF5;
	[smem:$0x3FB3] =	sst s0  }
0x18: {  	s0 =	sld [smem:$0x3F96];
	_ =	swait.ge [sflag:s4], $0x0  }
0x19: {  	s7 =	sld [smem:$0x3F97]  }
0x1a: {  	s8 =	sadd.s32 $0xFFFFE003, lr  }
0x1b: {  	s9 =	sadd.s32 $0xFFFFFEF7, lr;
	s5 =	simm.s32 $0xFFFFFFFF;
	p2 =	slt.u32 s8, $0xFFFFF086  }
0x1c: {  	p1 =	slt.u32 s9, $0xF7A;
	s5 =	simm.s32 @!p2 $0x0  }
0x1d: {  	s5 =	simm.s32 @p1 $0x1;
	p0 =	seq.s32 s7, s2  }
0x1e: {  	s7 =	smul.u32 @!p0 $0xF7A, s2;
	p2 =	seq.s32 @!p0 s5, $0x0  }
0x1f: {  	s9 =	smul.u32 $0xF7A, s1;
	s8 =	simm.s32 @!p0 $0x1BF5;
	p2 =	por !p2, p0  }
0x20: {  	[sflag:s8] =	ssyncset.s32 @!p0 $0xFFFFF086;
	s6 =	sadd.s32 @!p0 s3, s7;
	s7 =	simm.s32 @!p0 $0x108  }
0x21: {  	s3 =	sadd.s32 s3, s9;
	s6 =	sadd.s32 @!p0 $0x88, s6;
	s7 =	simm.s32 @p2 $0x1082  }
0x22: {  	[simem:s7], [sflag:s8] =	dma.local @!p0 [hbm:s6], $0xF7A  }
0x23: {  	s9 =	sor.u32 $0xD0000000, s2;
	s6 =	simm.s32 $0x108;
	_ =	swait.ge @!p0 [sflag:s8], $0x0  }
0x24: {  	s3 =	sadd.s32 $0x88, s3;
	s6 =	simm.s32 @!p1 $0x1082;
	[sflag:s4] =	ssyncset.s32 $0xFFFFF086  }
0x25: {  	[simem:s6], [sflag:s4] =	dma.local [hbm:s3], $0xF7A  }
0x26: {  	[smem:$0x3F97] =	sst s1;
	(tag) =	ssettag s2;
	_ =	strace s9  }
0x27: {  	s1 =	sld [smem:$0x3FA7]  }
0x28: {  	s2 =	sld [smem:$0x3FA8]  }
0x29: {  	s4 =	sld [smem:$0x3FAA]  }
0x2a: {  	p0 =	seq.s32 s5, $0x0;
	s5 =	sld [smem:$0x3FAB]  }
0x2b: {  	s6 =	sld [smem:$0x3FAC]  }
0x2c: {  	s7 =	sld [smem:$0x3FAD]  }
0x2d: {  	s3 =	simm.s32 $0x108;
	s8 =	sld [smem:$0x3FAE]  }
0x2e: {  	s3 =	simm.s32 @!p0 $0x1082;
	s9 =	sld [smem:$0x3FAF]  }
0x2f: {  	lr =	sadd.s32 s0, s3;
	s0 =	sld [smem:$0x3FA6]  }
0x30: {  	s3 =	sld [smem:$0x3FA9]  }
0x31: {  	[smem:$0x3FB2] =	sst s10  }
0x32: {  	s10 =	sld [smem:$0x3FB0];
	_ =	sdelay $0x3  }
0x33: {  	p0 =	seq.s32 s10, $0x1;
	s10 =	sld [smem:$0x3FB2];
	_ =	sdelay $0x3  }
0x34: {  	[smem:$0x3FB2] =	sst s10  }
0x35: {  	s10 =	sld [smem:$0x3FB1];
	_ =	sdelay $0x3  }
0x36: {  	p1 =	seq.s32 s10, $0x1;
	s10 =	sld [smem:$0x3FB2];
	_ =	sdelay $0x3  }
0x37: {  	[smem:$0x3FB2] =	sst s10  }
0x38: {  	s10 =	sld [smem:$0x3FB3]  }
0x39: {  	_ = 	snop;
	(pc) =	sbr.ind lr, $3  }
0x3a: {  	_ = 	snop  }
0x3b: {  	_ = 	snop  }
0x3c: {  	p2 =	seq.s32 s10, $0x1;
	s10 =	sld [smem:$0x3FB2]  }
0x3d: {  	_ =	shalt  }
0x3e: {  	_ =	shalt  }
0x3f: {  	_ =	shalt  }
0x40: {  	_ =	shalt  }
0x41: {  	_ =	shalt  }
0x42: {  	_ =	shalt  }
0x43: {  	_ =	shalt  }
0x44: {  	_ =	shalt  }
0x45: {  	_ =	shalt  }
0x46: {  	_ =	shalt  }
0x47: {  	_ =	shalt  }
0x48: {  	_ =	shalt  }
0x49: {  	_ =	shalt  }
0x4a: {  	_ =	shalt  }
0x4b: {  	_ =	shalt  }
0x4c: {  	_ =	shalt  }
0x4d: {  	_ =	shalt  }
0x4e: {  	_ =	shalt  }
0x4f: {  	_ =	shalt  }
0x50: {  	_ =	shalt  }
0x51: {  	_ =	shalt  }
0x52: {  	_ =	shalt  }
0x53: {  	_ =	shalt  }
0x54: {  	_ =	shalt  }
0x55: {  	_ =	shalt  }
0x56: {  	_ =	shalt  }
0x57: {  	_ =	shalt  }
0x58: {  	_ =	shalt  }
0x59: {  	_ =	shalt  }
0x5a: {  	_ =	shalt  }
0x5b: {  	_ =	shalt  }
0x5c: {  	_ =	shalt  }
0x5d: {  	_ =	shalt  }
0x5e: {  	_ =	shalt  }
0x5f: {  	_ =	shalt  }
0x60: {  	_ =	shalt  }
0x61: {  	_ =	shalt  }
0x62: {  	_ =	shalt  }
0x63: {  	_ =	shalt  }
0x64: {  	_ =	shalt  }
0x65: {  	_ =	shalt  }
0x66: {  	_ =	shalt  }
0x67: {  	_ =	shalt  }
0x68: {  	_ =	shalt  }
0x69: {  	_ =	shalt  }
0x6a: {  	_ =	shalt  }
0x6b: {  	_ =	shalt  }
0x6c: {  	_ =	shalt  }
0x6d: {  	_ =	shalt  }
0x6e: {  	_ =	shalt  }
0x6f: {  	_ =	shalt  }
0x70: {  	_ =	shalt  }
0x71: {  	_ =	shalt  }
0x72: {  	_ =	shalt  }
0x73: {  	_ =	shalt  }
0x74: {  	_ =	shalt  }
0x75: {  	_ =	shalt  }
0x76: {  	_ =	shalt  }
0x77: {  	_ =	shalt  }
0x78: {  	_ =	shalt  }
0x79: {  	_ =	shalt  }
0x7a: {  	_ =	shalt  }
0x7b: {  	_ =	shalt  }
0x7c: {  	_ =	shalt  }
0x7d: {  	_ =	shalt  }
0x7e: {  	_ =	shalt  }
0x7f: {  	_ =	shalt  }
0x80: {  	_ =	shalt  }
0x81: {  	_ =	shalt  }
0x82: {  	_ =	shalt  }
0x83: {  	_ =	shalt  }
0x84: {  	_ =	shalt  }
0x85: {  	_ =	shalt  }
0x86: {  	_ =	shalt  }
0x87: {  	_ =	shalt  }
.Lfunc_end0:
.L_simem_size_0:
called_computation_lowered:
.L_overlay_start_0:
0x88: {  	s2 =	sld [smem:$0x3FD9]  }
0x89: {  	s3 =	sld [smem:$0x3FFE];
	_ =	sdelay $0x1  }
0x8a: {  	s1 =	srdreg.scid  }
0x8b: {  	s0 =	sand.u32 $0x1, s1  }
0x8c: {  	s17 =	sshll.u32 s0, $0xA;
	s2 =	sadd.s32 s3, s2  }
0x8d: {  	s2 =	sadd.s32 s2, s17  }
0x8e: {  	[smem:$0x3FBE] =	sst s2  }
0x8f: {  	_ = 	snop  }
0x90: {  	s2 =	sld [smem:$0x3FD0];
	(tm) =	ssettm $0x1  }
0x91: {  	s18 =	sld [smem:$0x3FFB];
	_ =	sdelay $0x3  }
0x92: {  	_ =	strace s18  }
0x93: {  	s3 =	sld [smem:$0x3FFC];
	_ =	sdelay $0x3  }
0x94: {  	_ =	strace s3  }
0x95: {  	s3 =	sld [smem:$0x3FFD];
	_ =	sdelay $0x3  }
0x96: {  	_ =	strace s3  }
0x97: {  	_ =	strace $0x8FFFFFFF  }
0x98: {  	s19 =	sld [smem:$0x3FDB];
	_ =	sdelay $0x1  }
0x99: {  	s4 =	simm.s32 $_scs_section_size  }
0x9a: {  	s5 =	simm.s32 $_size__tile_overlayer_lowered;
	s6 =	simm.s32 $_tile_overlayer_lowered  }
0x9b: {  	s22 =	simm.s32 $0x1BFF;
	s21 =	sshll.u32 s6, $0x1;
	s3 =	sadd.s32 s4, s19  }
0x9c: {  	s7 =	simm.s32 $0x0;
	s20 =	sshll.u32 s5, $0x1;
	s5 =	sadd.s32 s21, s3  }
0x9d: {  	[timem:s7], [sflag:s22] =	dma.local [hbm:s5], s20  }
0x9e: {  	_ =	swait.ge [sflag:s22], s20  }
0x9f: {  	s4 =	ssub.s32 $0x0, s20;
	[sflag:s22] =	ssyncset.done $0x0  }
0xa0: {  	[sflag:s22] =	ssyncadd.s32 s4;
	_ =	sdelay $0x1  }
0xa1: {  	s23 =	simm.s32 $0x1B8B  }
0xa2: {  	_ =	swait.ge [sflag:s23], $0x1  }
0xa3: {  	[sflag:s23] =	ssyncset.done $0x0  }
0xa4: {  	s25 =	simm.s32 $0x1B8E;
	s24 =	sld [smem:$0x3FFE];
	[sflag:s23] =	ssyncadd.s32 $0xFFFFFFFF  }
0xa5: {  	s26 =	simm.s32 $execute0_lowered;
	[smem:$0x3FD2] =	sst s25  }
0xa6: {  	s5 =	sshll.u32 s26, $0x1;
	_ =	strace $0x80000046;
	[dreg:$0x1] =	wrdreg $0xFFFFFFFF  }
0xa7: {  	s28 =	simm.s32 $_size_execute0_lowered;
	s3 =	sadd.s32 s3, s5;
	[dreg:$0x0] =	wrdreg $0x0  }
0xa8: {  	s5 =	sshll.u32 s28, $0x1;
	[dreg:$0x2] =	wrdreg s3  }
0xa9: {  	[dreg:$0x3] =	wrdreg s5  }
0xaa: {  	[dreg:$0x4] =	wrdreg $0xC0  }
0xab: {  	_ =	task [dreg:s7], $0x5FFFF  }
0xac: {  	[dreg:$0x1] =	wrdreg $0xFFFFFFFF  }
0xad: {  	[dreg:$0x0] =	wrdreg $0x60  }
0xae: {  	[dreg:$0x2] =	wrdreg s24  }
0xaf: {  	[dreg:$0x3] =	wrdreg s2  }
0xb0: {  	[dreg:$0x4] =	wrdreg $0x10000  }
0xb1: {  	[dreg:$0x5] =	wrdreg $0x9  }
0xb2: {  	_ =	task.clear_ibuf [dreg:s7], $0x6FFFF;
	_ =	strace $0x90000046  }
0xb3: {  	s29 =	simm.s32 $0x9;
	_ =	strace $0x80000048  }
0xb4: {  	_ =	swait.ge [sflag:s29], $0x1  }
0xb5: {  	[sflag:s29] =	ssyncadd.s32 $0xFFFFFFFF  }
0xb6: {  	_ =	strace $0x90000048  }
0xb7: {  	_ =	sfence  }
0xb8: {  	s30 =	sld [smem:$0x0];
	_ =	sdelay $0x2  }
0xb9: {  	s31 =	sshll.u32 s1, $0xD;
	s1 =	sshrl.u32 s1, $0x2  }
0xba: {  	s3 =	sand.u32 $0x4000, s31;
	s1 =	sadd.s32 s1, s30  }
0xbb: {  	s0 =	sor.u32 s3, s0;
	s1 =	sshll.u32 s1, $0x11  }
0xbc: {  	s0 =	sor.u32 s1, s0  }
0xbd: {  	s0 =	sadd.s32 $0x8F2B, s0  }
0xbe: {  	[sflag:s0] =	ssyncadd.remote.s32 $0x1  }
0xbf: {  	_ =	sfence.sel $0xFFFF  }
0xc0: {  	[dreg:$0x0] =	wrdreg $0xFFFFFFFF;
	(pc) =	sbr.abs _section_cstart, $3  }
0xc1: {  	[dreg:$0x1] =	wrdreg $0xFFFFFFFF  }
0xc2: {  	_ =	task.clear_ibuf [dreg:s7], $0x2FFFF;
	_ =	strace $0x9FFFFFFF  }
0xc3: {  	(tm) =	ssettm $0x7FFFFFFF  }
tec
execute0_lowered:
.L_overlay_start_1:
0x0: {  	(tag) =	ssettag $0x1  }
0x1: {  	s10 =	rddreg [dreg:$0x0]  }
0x2: {  	s15 =	rddreg [dreg:$0x1]  }
0x3: {  	s2 =	rddreg [dreg:$0x2]  }
0x4: {  	s0 =	rddreg [dreg:$0x3]  }
0x5: {  	s4 =	srdreg.scid;
	s1 =	stileid.u32  }
0x6: {  	s3 =	simm.s32 $0x0;
	s6 =	simm.s32 $0x800;
	s5 =	simm.s32 $0x1  }
0x7: {  	s16 =	sand.u32 $0x1, s4;
	s30 =	sshll.u32 s1, $0x1;
	[smem:$0x7FF] =	sst s3  }
0x8: {  	s17 =	smul.u32 $0x280, s1;
	s8 =	sshll.u32 s1, $0x6;
	s4 =	sor.u32 s16, s30  }
0x9: {  	_ =	strace $0x80000047;
	s11 =	smul.u32 $0x2800, s4;
	s4 =	sadd.s32 $0x16E00, s10  }
0xa: {  	[tilespmem:s6], [sflag:$0x1] =	stream.linear.gather [hbm4b:s4+s3], $0x800, $0x38;
	[tilespmem:$0x1280] =	vst v63  }
0xb: {  	s8 =	sor.u32 $0x1C01, s8;
	s7 =	sshrl.u32 s17, $0x3;
	_ =	swait.ge [sflag:s5], $0x800  }
0xc: {  	s9 =	sadd.s32 s17, s2;
	s7 =	sadd.s32 s7, s10;
	[sflag:s5] =	ssyncset.done $0x0  }
0xd: {  	s9 =	sshrl.u32 s9, $0x3;
	s7 =	sadd.s32 $0x16800, s7;
	[sflag:s5] =	ssyncadd.s32 $0xFFFFF800  }
0xe: {  	[spmem:s9], [sflag:s8] =	dma.local [hbm:s7], $0x50  }
0xf: {  	_ =	swait.ge [sflag:s5], $0x50  }
0x10: {  	s11 =	sshrl.u32 s11, $0x3;
	[sflag:s5] =	ssyncset.done $0x0  }
0x11: {  	s14 =	sadd.s32 s11, s10;
	[sflag:s5] =	ssyncadd.s32 $0xFFFFFFB0  }
0x12: {  	s10 =	sadd.s32 $0xC800, s14;
	[bflag:$0x0] =	sbarrier.arrive $0xFFFF  }
0x13: {  	[tilespmem:s3], [sflag:$0x1] =	stream.linear.gather [hbm4b:s10+s3], $0x800, $0x38;
	[tilespmem:$0x1280] =	vst v63  }
0x14: {  	_ =	swait.ge [sflag:s5], $0x800  }
0x15: {  	[sflag:s5] =	ssyncset.done $0x0  }
0x16: {  	[sflag:s5] =	ssyncadd.s32 $0xFFFFF800  }
0x17: {  	[spmem:s2] =	stream.indirect.scatter.add.f32 [tilespmem:s6], [sflag:$0x1], $0x1, s3, s6, $0xb8;
	[tilespmem:$0x1280] =	vst v63  }
0x18: {  	_ =	swait.ge [sflag:s5], $0x800  }
0x19: {  	[sflag:s5] =	ssyncset.done $0x0  }
0x1a: {  	s11 =	sadd.s32 $0xC900, s14;
	[sflag:s5] =	ssyncadd.s32 $0xFFFFF800  }
0x1b: {  	[tilespmem:s3], [sflag:$0x1] =	stream.linear.gather [hbm4b:s11+s3], $0x800, $0x38;
	[tilespmem:$0x1280] =	vst v63  }
0x1c: {  	_ =	swait.ge [sflag:s5], $0x800  }
0x1d: {  	[sflag:s5] =	ssyncset.done $0x0  }
0x1e: {  	[sflag:s5] =	ssyncadd.s32 $0xFFFFF800  }
0x1f: {  	[spmem:s2] =	stream.indirect.scatter.add.f32 [tilespmem:s6], [sflag:$0x1], $0x1, s3, s6, $0xb8;
	[tilespmem:$0x1280] =	vst v63  }
0x20: {  	_ =	swait.ge [sflag:s5], $0x800  }
0x21: {  	[sflag:s5] =	ssyncset.done $0x0  }
0x22: {  	s12 =	sadd.s32 $0xCA00, s14;
	[sflag:s5] =	ssyncadd.s32 $0xFFFFF800  }
0x23: {  	[tilespmem:s3], [sflag:$0x1] =	stream.linear.gather [hbm4b:s12+s3], $0x800, $0x38;
	[tilespmem:$0x1280] =	vst v63  }
0x24: {  	_ =	swait.ge [sflag:s5], $0x800  }
0x25: {  	[sflag:s5] =	ssyncset.done $0x0  }
0x26: {  	[sflag:s5] =	ssyncadd.s32 $0xFFFFF800  }
0x27: {  	[spmem:s2] =	stream.indirect.scatter.add.f32 [tilespmem:s6], [sflag:$0x1], $0x1, s3, s6, $0xb8;
	[tilespmem:$0x1280] =	vst v63  }
0x28: {  	_ =	swait.ge [sflag:s5], $0x800  }
0x29: {  	[sflag:s5] =	ssyncset.done $0x0  }
0x2a: {  	s13 =	sadd.s32 $0xCB00, s14;
	[sflag:s5] =	ssyncadd.s32 $0xFFFFF800  }
0x2b: {  	[tilespmem:s3], [sflag:$0x1] =	stream.linear.gather [hbm4b:s13+s3], $0x800, $0x38;
	[tilespmem:$0x1280] =	vst v63  }
0x2c: {  	_ =	swait.ge [sflag:s5], $0x800  }
0x2d: {  	[sflag:s5] =	ssyncset.done $0x0  }
0x2e: {  	[sflag:s5] =	ssyncadd.s32 $0xFFFFF800  }
0x2f: {  	[spmem:s2] =	stream.indirect.scatter.add.f32 [tilespmem:s6], [sflag:$0x1], $0x1, s3, s6, $0xb8;
	[tilespmem:$0x1280] =	vst v63  }
0x30: {  	_ =	swait.ge [sflag:s5], $0x800  }
0x31: {  	[sflag:s5] =	ssyncset.done $0x0  }
0x32: {  	s14 =	sadd.s32 $0xCC00, s14;
	[sflag:s5] =	ssyncadd.s32 $0xFFFFF800  }
0x33: {  	[tilespmem:s3], [sflag:$0x1] =	stream.linear.gather [hbm4b:s14+s3], $0x800, $0x38;
	[tilespmem:$0x1280] =	vst v63  }
0x34: {  	s18 =	smul.u32 $0x2800, s16;
	s16 =	ssub.s32 $0x2, s16;
	_ =	swait.ge [sflag:s5], $0x800  }
0x35: {  	s31 =	sshrl.u32 s16, $0x1;
	[sflag:s5] =	ssyncset.done $0x0  }
0x36: {  	s16 =	ssub.s32 s16, s31;
	[sflag:s5] =	ssyncadd.s32 $0xFFFFF800  }
0x37: {  	[spmem:s2] =	stream.indirect.scatter.add.f32 [tilespmem:s6], [sflag:$0x1], $0x1, s3, s6, $0xb8;
	[tilespmem:$0x1280] =	vst v63  }
0x38: {  	s16 =	smax.u32 s16, $0x1;
	_ =	swait.ge [sflag:s5], $0x800  }
0x39: {  	s17 =	sadd.s32 s17, s18;
	p0 =	sne.s32 s16, $0x1;
	[sflag:s5] =	ssyncset.done $0x0  }
.Ltmp0:
0x3a: {  	s17 =	sshrl.u32 s17, $0x3;
	[sflag:s5] =	ssyncadd.s32 $0xFFFFF800;
	(pc) =	sbr.rel @!p0 .LBB2_2-.Ltmp0, $4  }
0x3b: {  	s15 =	sadd.s32 s15, s17;
	[bflag:$0x0] =	sbarrier.arrive $0xFFFF  }
0x3c: {  	[hbm:s15], [sflag:s8] =	dma.local [spmem:s9], $0x50  }
0x3d: {  	_ =	swait.ge [sflag:s5], $0x50  }
0x3e: {  	s16 =	sadd.s32 $0xFFFFFFFF, s16;
	[sflag:s5] =	ssyncset.done $0x0  }
.LBB2_1:
0x3f: {  	p0 =	sne.s32 s16, $0x1;
	s16 =	sadd.s32 $0xFFFFFFFF, s16;
	[sflag:s5] =	ssyncadd.s32 $0xFFFFFFB0  }
0x40: {  	[tilespmem:s6], [sflag:$0x1] =	stream.linear.gather [hbm4b:s4+s3], $0x800, $0x38;
	[tilespmem:$0x1280] =	vst v63  }
0x41: {  	_ =	swait.ge [sflag:s5], $0x800  }
0x42: {  	[sflag:s5] =	ssyncset.done $0x0  }
0x43: {  	[sflag:s5] =	ssyncadd.s32 $0xFFFFF800  }
0x44: {  	[spmem:s9], [sflag:s8] =	dma.local [hbm:s7], $0x50  }
0x45: {  	_ =	swait.ge [sflag:s5], $0x50  }
0x46: {  	[sflag:s5] =	ssyncset.done $0x0  }
0x47: {  	[sflag:s5] =	ssyncadd.s32 $0xFFFFFFB0  }
0x48: {  	[bflag:$0x0] =	sbarrier.arrive $0xFFFF  }
0x49: {  	[tilespmem:s3], [sflag:$0x1] =	stream.linear.gather [hbm4b:s10+s3], $0x800, $0x38;
	[tilespmem:$0x1280] =	vst v63  }
0x4a: {  	_ =	swait.ge [sflag:s5], $0x800  }
0x4b: {  	[sflag:s5] =	ssyncset.done $0x0  }
0x4c: {  	[sflag:s5] =	ssyncadd.s32 $0xFFFFF800  }
0x4d: {  	[spmem:s2] =	stream.indirect.scatter.add.f32 [tilespmem:s6], [sflag:$0x1], $0x1, s3, s6, $0xb8;
	[tilespmem:$0x1280] =	vst v63  }
0x4e: {  	_ =	swait.ge [sflag:s5], $0x800  }
0x4f: {  	[sflag:s5] =	ssyncset.done $0x0  }
0x50: {  	[sflag:s5] =	ssyncadd.s32 $0xFFFFF800  }
0x51: {  	[tilespmem:s3], [sflag:$0x1] =	stream.linear.gather [hbm4b:s11+s3], $0x800, $0x38;
	[tilespmem:$0x1280] =	vst v63  }
0x52: {  	_ =	swait.ge [sflag:s5], $0x800  }
0x53: {  	[sflag:s5] =	ssyncset.done $0x0  }
0x54: {  	[sflag:s5] =	ssyncadd.s32 $0xFFFFF800  }
0x55: {  	[spmem:s2] =	stream.indirect.scatter.add.f32 [tilespmem:s6], [sflag:$0x1], $0x1, s3, s6, $0xb8;
	[tilespmem:$0x1280] =	vst v63  }
0x56: {  	_ =	swait.ge [sflag:s5], $0x800  }
0x57: {  	[sflag:s5] =	ssyncset.done $0x0  }
0x58: {  	[sflag:s5] =	ssyncadd.s32 $0xFFFFF800  }
0x59: {  	[tilespmem:s3], [sflag:$0x1] =	stream.linear.gather [hbm4b:s12+s3], $0x800, $0x38;
	[tilespmem:$0x1280] =	vst v63  }
0x5a: {  	_ =	swait.ge [sflag:s5], $0x800  }
0x5b: {  	[sflag:s5] =	ssyncset.done $0x0  }
0x5c: {  	[sflag:s5] =	ssyncadd.s32 $0xFFFFF800  }
0x5d: {  	[spmem:s2] =	stream.indirect.scatter.add.f32 [tilespmem:s6], [sflag:$0x1], $0x1, s3, s6, $0xb8;
	[tilespmem:$0x1280] =	vst v63  }
0x5e: {  	_ =	swait.ge [sflag:s5], $0x800  }
0x5f: {  	[sflag:s5] =	ssyncset.done $0x0  }
0x60: {  	[sflag:s5] =	ssyncadd.s32 $0xFFFFF800  }
0x61: {  	[tilespmem:s3], [sflag:$0x1] =	stream.linear.gather [hbm4b:s13+s3], $0x800, $0x38;
	[tilespmem:$0x1280] =	vst v63  }
0x62: {  	_ =	swait.ge [sflag:s5], $0x800  }
0x63: {  	[sflag:s5] =	ssyncset.done $0x0  }
0x64: {  	[sflag:s5] =	ssyncadd.s32 $0xFFFFF800  }
0x65: {  	[spmem:s2] =	stream.indirect.scatter.add.f32 [tilespmem:s6], [sflag:$0x1], $0x1, s3, s6, $0xb8;
	[tilespmem:$0x1280] =	vst v63  }
0x66: {  	_ =	swait.ge [sflag:s5], $0x800  }
0x67: {  	[sflag:s5] =	ssyncset.done $0x0  }
0x68: {  	[sflag:s5] =	ssyncadd.s32 $0xFFFFF800  }
0x69: {  	[tilespmem:s3], [sflag:$0x1] =	stream.linear.gather [hbm4b:s14+s3], $0x800, $0x38;
	[tilespmem:$0x1280] =	vst v63  }
0x6a: {  	_ =	swait.ge [sflag:s5], $0x800  }
0x6b: {  	[sflag:s5] =	ssyncset.done $0x0  }
0x6c: {  	[sflag:s5] =	ssyncadd.s32 $0xFFFFF800  }
0x6d: {  	[spmem:s2] =	stream.indirect.scatter.add.f32 [tilespmem:s6], [sflag:$0x1], $0x1, s3, s6, $0xb8;
	[tilespmem:$0x1280] =	vst v63  }
0x6e: {  	_ =	swait.ge [sflag:s5], $0x800  }
0x6f: {  	[sflag:s5] =	ssyncset.done $0x0  }
.Ltmp1:
0x70: {  	[sflag:s5] =	ssyncadd.s32 $0xFFFFF800;
	(pc) =	sbr.rel @p0 .LBB2_1-.Ltmp1, $4  }
0x71: {  	[bflag:$0x0] =	sbarrier.arrive $0xFFFF  }
0x72: {  	[hbm:s15], [sflag:s8] =	dma.local [spmem:s9], $0x50  }
0x73: {  	_ =	swait.ge [sflag:s5], $0x50  }
0x74: {  	[sflag:s5] =	ssyncset.done $0x0  }
.LBB2_2:
0x75: {  	[sflag:s5] =	ssyncadd.s32 $0xFFFFFFB0  }
0x76: {  	_ =	sfence.sel $0x180000  }
0x77: {  	[bflag:$0x0] =	sbarrier.arrive $0xFFFF  }
0x78: {  	p0 =	sne.s32 s1, $0x0;
	_ =	strace $0x90000047  }
0x79: {  	s0 =	sadd.s32 @!p0 $0x100000, s0;
	[bflag:$0x2] =	sbarrier.arrive $0xFFFF  }
0x7a: {  	[sflag:s0] =	ssyncadd.tile.s32 @!p0 $0x1;
	_ =	shalt  }
.Lfunc_end2:
_tile_overlayer_lowered:
.L_overlay_start_2:
0x7b: {  	(tag) =	ssettag $0x2  }
0x7c: {  	s0 =	rddreg [dreg:$0x0];
	s2 =	stileid.u32  }
0x7d: {  	s1 =	rddreg [dreg:$0x1];
	p0 =	sne.s32 s2, $0x0  }
0x7e: {  	s3 =	rddreg [dreg:$0x2];
	[bflag:$0x3] =	sbarrier.arrive $0xFFFF;
	s2 =	simm.s32 @!p0 $0x1C01  }
0x7f: {  	[timem:s3], [sflag:s2] =	dma.local @!p0 [hbm:s0], s1  }
0x80: {  	s0 =	simm.s32 @!p0 $0x1  }
0x81: {  	_ =	swait.ge @!p0 [sflag:s0], s1  }
0x82: {  	s1 =	ssub.s32 @!p0 $0x0, s1;
	[sflag:s0] =	ssyncset.done @!p0 $0x0  }
0x83: {  	[sflag:s0] =	ssyncadd.s32 @!p0 s1  }
0x84: {  	[bflag:$0x3] =	sbarrier.arrive $0xFFFF  }
0x85: {  	_ =	shalt  }

</sc_bundles>
